<compile_context>
chip_gen: v7x
topology: tpu7x:2x2x1
jax: 0.10.2.dev20260603
libtpu: 0.0.44.dev20260713+nightly
codegen_flags: <defaults>
</compile_context>

<pallas_src>
import functools

import jax
import jax.numpy as jnp
from jax import lax
from jax.experimental import pallas as pl
from jax.experimental.pallas import tpu as pltpu
from jax.experimental.pallas import tpu_sc as plsc

F32 = jnp.float32
I32 = jnp.int32

N = 10000
E = 160000
NP = 10240
EP = 163840
NROWS16 = NP // 16
TILES = 32
EROWS = EP // 128
EROWS_T = EROWS // TILES
NROWS_T = NROWS16 // 16

_mesh = plsc.VectorSubcoreMesh(core_axis_name="c", subcore_axis_name="s")


def _deg_call(dst2d):
    width = 128
    rows_per_tile = NP // 16

    @functools.partial(
        pl.kernel,
        out_type=jax.ShapeDtypeStruct((2, NP, width), F32),
        mesh=_mesh,
        scratch_types=[
            pltpu.VMEM((EROWS_T, 128), I32),
            pltpu.VMEM((128, width), F32),
            pltpu.VMEM((EROWS_T, width), F32),
            pltpu.VMEM_SHARED((NP, width), F32),
        ],
    )
    def k(dst_hbm, out_hbm, dstv, onev, zerov, shared):
        c = lax.axis_index("c")
        s = lax.axis_index("s")
        w = c * 16 + s

        pltpu.sync_copy(dst_hbm.at[pl.ds(w * EROWS_T, EROWS_T)], dstv)

        zeros16 = jnp.zeros((16,), F32)
        ones16 = jnp.ones((16,), F32)

        @pl.loop(0, 128)
        def _(r):
            @pl.loop(0, width // 16)
            def _(j):
                onev[r, pl.ds(j * 16, 16)] = ones16

        @pl.loop(0, EROWS_T)
        def _(r):
            @pl.loop(0, width // 16)
            def _(j):
                zerov[r, pl.ds(j * 16, 16)] = zeros16

        @pl.loop(0, rows_per_tile // EROWS_T)
        def _(t):
            pltpu.sync_copy(
                zerov,
                shared.at[pl.ds(s * rows_per_tile + t * EROWS_T, EROWS_T)],
            )
        plsc.subcore_barrier()

        @pl.loop(0, EROWS_T)
        def _(r):
            pltpu.sync_copy(onev, shared.at[dstv.at[r]], add=True)

        plsc.subcore_barrier()
        pltpu.sync_copy(
            shared.at[pl.ds(s * rows_per_tile, rows_per_tile)],
            out_hbm.at[c, pl.ds(s * rows_per_tile, rows_per_tile)],
        )

    return k(dst2d)


def _accum_call(h, src2d, dst2d):
    width = 128
    rows_per_tile = NP // 16

    @functools.partial(
        pl.kernel,
        out_type=jax.ShapeDtypeStruct((2, NP, width), F32),
        mesh=_mesh,
        scratch_types=[
            pltpu.VMEM((EROWS_T, 128), I32),
            pltpu.VMEM((EROWS_T, 128), I32),
            pltpu.VMEM((128, width), F32),
            pltpu.VMEM((128, width), F32),
            pltpu.VMEM_SHARED((NP, width), F32),
            pltpu.SemaphoreType.DMA,
            pltpu.SemaphoreType.DMA,
            pltpu.SemaphoreType.DMA,
            pltpu.SemaphoreType.DMA,
        ],
    )
    def k(h_hbm, src_hbm, dst_hbm, out_hbm, srcv, dstv,
          rows0, rows1, shared, gs0, gs1, ss0, ss1):
        c = lax.axis_index("c")
        s = lax.axis_index("s")
        w = c * 16 + s
        rows = [rows0, rows1]
        gsem = [gs0, gs1]
        ssem = [ss0, ss1]

        pltpu.sync_copy(src_hbm.at[pl.ds(w * EROWS_T, EROWS_T)], srcv)
        pltpu.sync_copy(dst_hbm.at[pl.ds(w * EROWS_T, EROWS_T)], dstv)
        pltpu.sync_copy(
            h_hbm.at[pl.ds(s * rows_per_tile, rows_per_tile)],
            shared.at[pl.ds(s * rows_per_tile, rows_per_tile)],
        )
        plsc.subcore_barrier()

        @pl.loop(0, EROWS_T, step=2)
        def _(r):
            gh = [
                pltpu.async_copy(h_hbm.at[srcv.at[r + b]], rows[b], gsem[b])
                for b in range(2)
            ]
            sh = []
            for b in range(2):
                gh[b].wait()
                sh.append(
                    pltpu.async_copy(
                        rows[b], shared.at[dstv.at[r + b]], ssem[b], add=True
                    )
                )
            for b in range(2):
                sh[b].wait()

        plsc.subcore_barrier()
        pltpu.sync_copy(
            shared.at[pl.ds(s * rows_per_tile, rows_per_tile)],
            out_hbm.at[c, pl.ds(s * rows_per_tile, rows_per_tile)],
        )

    return k(h, src2d, dst2d)


def _mm1_kernel(x_ref, w_ref, dp_ref, o_ref):
    deg = dp_ref[0, :, 0] + dp_ref[1, :, 0] + 1.0
    dinv = lax.rsqrt(deg)
    u = jnp.dot(x_ref[...], w_ref[...],
                preferred_element_type=F32,
                precision=lax.Precision.HIGHEST)
    o_ref[...] = u * dinv[:, None]


def _mm1_call(xp, W1p, degp):
    bm = 1024
    return pl.pallas_call(
        _mm1_kernel,
        grid=(NP // bm,),
        in_specs=[
            pl.BlockSpec((bm, 128), lambda i: (i, 0)),
            pl.BlockSpec((128, 128), lambda i: (0, 0)),
            pl.BlockSpec((2, bm, 16), lambda i: (0, i, 0)),
        ],
        out_specs=pl.BlockSpec((bm, 128), lambda i: (i, 0)),
        out_shape=jax.ShapeDtypeStruct((NP, 128), F32),
    )(xp, W1p, degp)


def _k2_kernel(ap_ref, h_ref, dp_ref, w_ref, b_ref, o_ref):
    deg = dp_ref[0, :, 0] + dp_ref[1, :, 0] + 1.0
    dinv = lax.rsqrt(deg)
    a = ap_ref[0] + ap_ref[1] - h_ref[...]
    h1 = jnp.maximum(a * dinv[:, None] + b_ref[...], 0.0)
    g = jnp.dot(h1, w_ref[...],
                preferred_element_type=F32,
                precision=lax.Precision.HIGHEST)
    o_ref[...] = g * dinv[:, None]


def _k2_call(a1p, hprime, degp, W2p, b1p):
    bm = 1024
    return pl.pallas_call(
        _k2_kernel,
        grid=(NP // bm,),
        in_specs=[
            pl.BlockSpec((2, bm, 128), lambda i: (0, i, 0)),
            pl.BlockSpec((bm, 128), lambda i: (i, 0)),
            pl.BlockSpec((2, bm, 16), lambda i: (0, i, 0)),
            pl.BlockSpec((128, 128), lambda i: (0, 0)),
            pl.BlockSpec((1, 128), lambda i: (0, 0)),
        ],
        out_specs=pl.BlockSpec((bm, 128), lambda i: (i, 0)),
        out_shape=jax.ShapeDtypeStruct((NP, 128), F32),
    )(a1p, hprime, degp, W2p, b1p)


def _zk_kernel(ap_ref, g_ref, dp_ref, b_ref, o_ref):
    deg = dp_ref[0, :, 0] + dp_ref[1, :, 0] + 1.0
    dinv = lax.rsqrt(deg)
    a = ap_ref[0, :, :32] + ap_ref[1, :, :32] - g_ref[:, :32]
    o_ref[...] = a * dinv[:, None] + b_ref[...]


def _zk_call(a2p, gprime, degp, b2):
    bm = 1024
    return pl.pallas_call(
        _zk_kernel,
        grid=(NP // bm,),
        in_specs=[
            pl.BlockSpec((2, bm, 128), lambda i: (0, i, 0)),
            pl.BlockSpec((bm, 128), lambda i: (i, 0)),
            pl.BlockSpec((2, bm, 16), lambda i: (0, i, 0)),
            pl.BlockSpec((1, 32), lambda i: (0, 0)),
        ],
        out_specs=pl.BlockSpec((bm, 32), lambda i: (i, 0)),
        out_shape=jax.ShapeDtypeStruct((NP, 32), F32),
    )(a2p, gprime, degp, b2)


def _decode_kernel(zr_ref, zc_ref, o_ref):
    t = lax.dot_general(
        zr_ref[...], zc_ref[...],
        (((1,), (1,)), ((), ())),
        preferred_element_type=F32,
        precision=lax.Precision.HIGHEST,
    )
    o_ref[...] = 0.5 * jnp.tanh(0.5 * t) + 0.5


def _decode_call(z):
    bm, bn = 256, 5120
    return pl.pallas_call(
        _decode_kernel,
        grid=(pl.cdiv(N, bm), pl.cdiv(N, bn)),
        in_specs=[
            pl.BlockSpec((bm, 32), lambda i, j: (i, 0)),
            pl.BlockSpec((bn, 32), lambda i, j: (j, 0)),
        ],
        out_specs=pl.BlockSpec((bm, bn), lambda i, j: (i, j)),
        out_shape=jax.ShapeDtypeStruct((N, N), F32),
    )(z, z)


def kernel(x, edge_index, W1, b1, W2, b2):
    ei = edge_index.astype(I32)
    pad = jnp.full((EP - E,), N, I32)
    src2d = jnp.concatenate([ei[0], pad]).reshape(EROWS, 128)
    dst2d = jnp.concatenate([ei[1], pad]).reshape(EROWS, 128)
    xp = jnp.concatenate([x, jnp.zeros((NP - N, x.shape[1]), F32)], axis=0)
    W1p = jnp.concatenate([W1, jnp.zeros((128, 64), F32)], axis=1)
    W2p = jnp.zeros((128, 128), F32).at[:64, :32].set(W2)
    b1p = jnp.concatenate([b1, jnp.zeros((64,), F32)]).reshape(1, 128)

    degp = _deg_call(dst2d)[:, :, :16]
    hprime = _mm1_call(xp, W1p, degp)
    a1p = _accum_call(hprime, src2d, dst2d)
    gprime = _k2_call(a1p, hprime, degp, W2p, b1p)
    a2p = _accum_call(gprime, src2d, dst2d)
    z = _zk_call(a2p, gprime, degp, b2.reshape(1, 32))
    return _decode_call(z)

# --- scband reference (transcript-rebuilt; emitter-appended) ---
"""Pipeline reference for scband-gae-8220567405314 (READ-ONLY COPY).

The authoritative reference and input builder live on the scoring server;
editing this copy changes nothing except your own understanding.
"""

import jax, jax.numpy as jnp
import numpy as np

N_NODES = 10000
E_EDGES = 160000
IN_CH = 128
HID_CH = 64
OUT_CH = 32


def glorot(key, shape):
    limit = float(np.sqrt(6.0 / (shape[0] + shape[1])))
    return jax.random.uniform(key, shape, dtype=jnp.float32, minval=-limit, maxval=limit)


def setup_inputs(seed: int = 0) -> dict:
    key = jax.random.key(seed)
    k1, k2, k3, k4 = jax.random.split(key, 4)
    x = jax.random.normal(k1, (N_NODES, IN_CH), dtype=jnp.float32)
    edge_index = jax.random.randint(k2, (2, E_EDGES), 0, N_NODES, dtype=jnp.int64)
    W1 = glorot(k3, (IN_CH, HID_CH))
    b1 = jnp.zeros((HID_CH,), dtype=jnp.float32)
    W2 = glorot(k4, (HID_CH, OUT_CH))
    b2 = jnp.zeros((OUT_CH,), dtype=jnp.float32)
    return {"x": x, "edge_index": edge_index, "W1": W1, "b1": b1, "W2": W2, "b2": b2}


def gcn_conv(x, src, dst, W, b, n_nodes):
    # x: [N, Fin], src/dst: [E+N] (self-loops already appended)
    deg = jnp.zeros((n_nodes,), dtype=jnp.float32).at[dst].add(1.0)
    dinv = jnp.where(deg > 0, 1.0 / jnp.sqrt(deg), 0.0)
    norm = dinv[src] * dinv[dst]
    h = x @ W
    msgs = jnp.take(h, src, axis=0) * norm[:, None]
    out = jnp.zeros((n_nodes, W.shape[1]), dtype=jnp.float32).at[dst].add(msgs)
    return out + b


def reference(x, edge_index, W1, b1, W2, b2):
    n_nodes = x.shape[0]
    loops = jnp.arange(n_nodes, dtype=edge_index.dtype)
    src = jnp.concatenate([edge_index[0], loops])
    dst = jnp.concatenate([edge_index[1], loops])
    # encode
    h = jax.nn.relu(gcn_conv(x, src, dst, W1, b1, n_nodes))
    z = gcn_conv(h, src, dst, W2, b2, n_nodes)
    # decode
    adj_recon = jax.nn.sigmoid(z @ z.T)
    return adj_recon

if __name__ == "__main__":
    import jax
    _d = setup_inputs()
    print(jax.jit(kernel)(*tuple(_d.values())))

</pallas_src>

<mosaic_0001>
#map = affine_map<(d0, d1) -> (0, 0)>
#map1 = affine_map<(d0, d1) -> (0, 0, 0)>
module attributes {stable_mosaic.version = 14 : i64} {
  func.func @k(%arg0: i32, %arg1: i32, %arg2: memref<1280x128xi32, #tpu.memory_space<hbm>>, %arg3: memref<2x10240x128xf32, #tpu.memory_space<hbm>>, %arg4: memref<40x128xi32, #tpu.memory_space<vmem>>, %arg5: memref<128x128xf32, #tpu.memory_space<vmem>>, %arg6: memref<40x128xf32, #tpu.memory_space<vmem>>, %arg7: memref<10240x128xf32, #tpu.memory_space<vmem_shared>>) attributes {dimension_semantics = [#tpu.dimension_semantics<core_parallel>, #tpu.dimension_semantics<subcore_parallel>], iteration_bounds = array<i64: 2, 16>, scalar_prefetch = 0 : i64, scratch_operands = 4 : i64, tpu.core_type = #tpu.core_type<sc_vector_subcore>, window_params = [{transform_indices = #map}, {transform_indices = #map1}]} {
    %mul3A = arith.constant 16 : i32
    %mul3A_0 = arith.muli %arg0, %mul3A : i32
    %add3A = arith.addi %mul3A_0, %arg1 : i32
    %mul3A_1 = arith.constant 40 : i32
    %mul3A_2 = arith.muli %add3A, %mul3A_1 : i32
    "tpu.region"() ({
      %run_scoped3A = tpu.sem_alloc : memref<!tpu.dma_semaphore, #tpu.memory_space<semaphore_mem>>
      %dma_start3A = arith.constant 0 : i32
      %dma_start3A_30 = tpu.memref_slice %arg2[%mul3A_2, %dma_start3A] : memref<1280x128xi32, #tpu.memory_space<hbm>> -> memref<40x128xi32, #tpu.memory_space<hbm>>
      %dma_start3A_31 = arith.constant 0 : i32
      %dma_start3A_32 = tpu.memref_slice %arg2[%mul3A_2, %dma_start3A_31] : memref<1280x128xi32, #tpu.memory_space<hbm>> -> memref<40x128xi32, #tpu.memory_space<hbm>>
      tpu.enqueue_dma source(%dma_start3A_32 : memref<40x128xi32, #tpu.memory_space<hbm>>) target(%arg4 : memref<40x128xi32, #tpu.memory_space<vmem>>) target_semaphore(%run_scoped3A : memref<!tpu.dma_semaphore, #tpu.memory_space<semaphore_mem>>)
      %dma_wait3A = arith.constant 0 : i32
      %dma_wait3A_33 = tpu.memref_slice %arg2[%mul3A_2, %dma_wait3A] : memref<1280x128xi32, #tpu.memory_space<hbm>> -> memref<40x128xi32, #tpu.memory_space<hbm>>
      %dma_wait3A_34 = arith.constant 0 : i32
      %dma_wait3A_35 = tpu.memref_slice %arg2[%mul3A_2, %dma_wait3A_34] : memref<1280x128xi32, #tpu.memory_space<hbm>> -> memref<40x128xi32, #tpu.memory_space<hbm>>
      tpu.wait_dma2 semaphore(%run_scoped3A : memref<!tpu.dma_semaphore, #tpu.memory_space<semaphore_mem>>) src(%dma_wait3A_35 : memref<40x128xi32, #tpu.memory_space<hbm>>) dst(%arg4 : memref<40x128xi32, #tpu.memory_space<vmem>>)
      tpu.yield
    }) : () -> ()
    %broadcast_in_dim3A = arith.constant 0.000000e+00 : f32
    %broadcast_in_dim3A_3 = vector.broadcast %broadcast_in_dim3A : f32 to vector<16xf32>
    %broadcast_in_dim3A_4 = arith.constant 1.000000e+00 : f32
    %broadcast_in_dim3A_5 = vector.broadcast %broadcast_in_dim3A_4 : f32 to vector<16xf32>
    %scan3A = arith.constant 0 : i32
    %scan3A_6 = arith.constant 128 : i32
    %scan3A_7 = arith.addi %scan3A, %scan3A_6 : i32
    %scan3A_8 = arith.constant 1 : i32
    scf.for %scan3A_30 = %scan3A to %scan3A_7 step %scan3A_8  : i32 {
      %mul3A_31 = arith.constant 1 : i32
      %mul3A_32 = arith.muli %scan3A_30, %mul3A_31 : i32
      %add3A_33 = arith.constant 0 : i32
      %add3A_34 = arith.addi %add3A_33, %mul3A_32 : i32
      %scan3A_35 = arith.constant 0 : i32
      %scan3A_36 = arith.constant 8 : i32
      %scan3A_37 = arith.addi %scan3A_35, %scan3A_36 : i32
      %scan3A_38 = arith.constant 1 : i32
      scf.for %scan3A_40 = %scan3A_35 to %scan3A_37 step %scan3A_38  : i32 {
        %mul3A_41 = arith.constant 1 : i32
        %mul3A_42 = arith.muli %scan3A_40, %mul3A_41 : i32
        %add3A_43 = arith.constant 0 : i32
        %add3A_44 = arith.addi %add3A_43, %mul3A_42 : i32
        %mul3A_45 = arith.constant 16 : i32
        %mul3A_46 = arith.muli %add3A_44, %mul3A_45 : i32
        %swap3A = arith.index_cast %add3A_34 : i32 to index
        %swap3A_47 = arith.index_cast %mul3A_46 : i32 to index
        %swap3A_48 = tpu.vector_load %arg5[%swap3A, %swap3A_47] {strides = array<i32>} : memref<128x128xf32, #tpu.memory_space<vmem>>, vector<1x16xf32>,
        %swap3A_49 = vector.shape_cast %swap3A_48 : vector<1x16xf32> to vector<16xf32>
        %swap3A_50 = vector.shape_cast %broadcast_in_dim3A_5 : vector<16xf32> to vector<1x16xf32>
        tpu.vector_store %arg5[%swap3A, %swap3A_47], %swap3A_50 {strides = array<i32>} : memref<128x128xf32, #tpu.memory_space<vmem>>, vector<1x16xf32>,
      }
      %scan3A_39 = arith.constant 8 : i32
    }
    %scan3A_9 = arith.constant 128 : i32
    %scan3A_10 = arith.constant 0 : i32
    %scan3A_11 = arith.constant 40 : i32
    %scan3A_12 = arith.addi %scan3A_10, %scan3A_11 : i32
    %scan3A_13 = arith.constant 1 : i32
    scf.for %scan3A_30 = %scan3A_10 to %scan3A_12 step %scan3A_13  : i32 {
      %mul3A_31 = arith.constant 1 : i32
      %mul3A_32 = arith.muli %scan3A_30, %mul3A_31 : i32
      %add3A_33 = arith.constant 0 : i32
      %add3A_34 = arith.addi %add3A_33, %mul3A_32 : i32
      %scan3A_35 = arith.constant 0 : i32
      %scan3A_36 = arith.constant 8 : i32
      %scan3A_37 = arith.addi %scan3A_35, %scan3A_36 : i32
      %scan3A_38 = arith.constant 1 : i32
      scf.for %scan3A_40 = %scan3A_35 to %scan3A_37 step %scan3A_38  : i32 {
        %mul3A_41 = arith.constant 1 : i32
        %mul3A_42 = arith.muli %scan3A_40, %mul3A_41 : i32
        %add3A_43 = arith.constant 0 : i32
        %add3A_44 = arith.addi %add3A_43, %mul3A_42 : i32
        %mul3A_45 = arith.constant 16 : i32
        %mul3A_46 = arith.muli %add3A_44, %mul3A_45 : i32
        %swap3A = arith.index_cast %add3A_34 : i32 to index
        %swap3A_47 = arith.index_cast %mul3A_46 : i32 to index
        %swap3A_48 = tpu.vector_load %arg6[%swap3A, %swap3A_47] {strides = array<i32>} : memref<40x128xf32, #tpu.memory_space<vmem>>, vector<1x16xf32>,
        %swap3A_49 = vector.shape_cast %swap3A_48 : vector<1x16xf32> to vector<16xf32>
        %swap3A_50 = vector.shape_cast %broadcast_in_dim3A_3 : vector<16xf32> to vector<1x16xf32>
        tpu.vector_store %arg6[%swap3A, %swap3A_47], %swap3A_50 {strides = array<i32>} : memref<40x128xf32, #tpu.memory_space<vmem>>, vector<1x16xf32>,
      }
      %scan3A_39 = arith.constant 8 : i32
    }
    %scan3A_14 = arith.constant 40 : i32
    %scan3A_15 = arith.constant 0 : i32
    %scan3A_16 = arith.constant 16 : i32
    %scan3A_17 = arith.addi %scan3A_15, %scan3A_16 : i32
    %scan3A_18 = arith.constant 1 : i32
    scf.for %scan3A_30 = %scan3A_15 to %scan3A_17 step %scan3A_18  : i32 {
      %mul3A_31 = arith.constant 1 : i32
      %mul3A_32 = arith.muli %scan3A_30, %mul3A_31 : i32
      %add3A_33 = arith.constant 0 : i32
      %add3A_34 = arith.addi %add3A_33, %mul3A_32 : i32
      %mul3A_35 = arith.constant 640 : i32
      %mul3A_36 = arith.muli %arg1, %mul3A_35 : i32
      %mul3A_37 = arith.constant 40 : i32
      %mul3A_38 = arith.muli %add3A_34, %mul3A_37 : i32
      %add3A_39 = arith.addi %mul3A_36, %mul3A_38 : i32
      "tpu.region"() ({
        %run_scoped3A = tpu.sem_alloc : memref<!tpu.dma_semaphore, #tpu.memory_space<semaphore_mem>>
        %dma_start3A = arith.constant 0 : i32
        %dma_start3A_40 = tpu.memref_slice %arg7[%add3A_39, %dma_start3A] : memref<10240x128xf32, #tpu.memory_space<vmem_shared>> -> memref<40x128xf32, #tpu.memory_space<vmem_shared>>
        %dma_start3A_41 = arith.constant 0 : i32
        %dma_start3A_42 = tpu.memref_slice %arg7[%add3A_39, %dma_start3A_41] : memref<10240x128xf32, #tpu.memory_space<vmem_shared>> -> memref<40x128xf32, #tpu.memory_space<vmem_shared>>
        tpu.enqueue_dma source(%arg6 : memref<40x128xf32, #tpu.memory_space<vmem>>) target(%dma_start3A_42 : memref<40x128xf32, #tpu.memory_space<vmem_shared>>) target_semaphore(%run_scoped3A : memref<!tpu.dma_semaphore, #tpu.memory_space<semaphore_mem>>)
        %dma_wait3A = arith.constant 0 : i32
        %dma_wait3A_43 = tpu.memref_slice %arg7[%add3A_39, %dma_wait3A] : memref<10240x128xf32, #tpu.memory_space<vmem_shared>> -> memref<40x128xf32, #tpu.memory_space<vmem_shared>>
        %dma_wait3A_44 = arith.constant 0 : i32
        %dma_wait3A_45 = tpu.memref_slice %arg7[%add3A_39, %dma_wait3A_44] : memref<10240x128xf32, #tpu.memory_space<vmem_shared>> -> memref<40x128xf32, #tpu.memory_space<vmem_shared>>
        tpu.wait_dma2 semaphore(%run_scoped3A : memref<!tpu.dma_semaphore, #tpu.memory_space<semaphore_mem>>) src(%arg6 : memref<40x128xf32, #tpu.memory_space<vmem>>) dst(%dma_wait3A_45 : memref<40x128xf32, #tpu.memory_space<vmem_shared>>)
        tpu.yield
      }) : () -> ()
    }
    %scan3A_19 = arith.constant 16 : i32
    %barrier3A = arith.constant 0 : index
    tpu.barrier barrier_id(%barrier3A)
    %scan3A_20 = arith.constant 0 : i32
    %scan3A_21 = arith.constant 40 : i32
    %scan3A_22 = arith.addi %scan3A_20, %scan3A_21 : i32
    %scan3A_23 = arith.constant 1 : i32
    scf.for %scan3A_30 = %scan3A_20 to %scan3A_22 step %scan3A_23  : i32 {
      %mul3A_31 = arith.constant 1 : i32
      %mul3A_32 = arith.muli %scan3A_30, %mul3A_31 : i32
      %add3A_33 = arith.constant 0 : i32
      %add3A_34 = arith.addi %add3A_33, %mul3A_32 : i32
      "tpu.region"() ({
        %run_scoped3A = tpu.sem_alloc : memref<!tpu.dma_semaphore, #tpu.memory_space<semaphore_mem>>
        %dma_start3A = arith.constant 0 : i32
        %dma_start3A_35 = tpu.memref_slice %arg4[%add3A_34, %dma_start3A] : memref<40x128xi32, #tpu.memory_space<vmem>> -> memref<1x128xi32, #tpu.memory_space<vmem>>
        %dma_start3A_36 = tpu.memref_squeeze %dma_start3A_35 : memref<1x128xi32, #tpu.memory_space<vmem>> -> memref<128xi32, #tpu.memory_space<vmem>>
        %dma_start3A_37 = arith.constant 0 : i32
        %dma_start3A_38 = arith.constant 0 : i32
        %dma_start3A_39 = tpu.memref_slice %arg7[%dma_start3A_37, %dma_start3A_38] : memref<10240x128xf32, #tpu.memory_space<vmem_shared>> -> memref<10240x128xf32, #tpu.memory_space<vmem_shared>>
        tpu.enqueue_indirect_dma source(%arg5 : memref<128x128xf32, #tpu.memory_space<vmem>>) target(%dma_start3A_39 : memref<10240x128xf32, #tpu.memory_space<vmem_shared>>) offsets(%dma_start3A_36 : memref<128xi32, #tpu.memory_space<vmem>>) semaphore(%run_scoped3A : memref<!tpu.dma_semaphore, #tpu.memory_space<semaphore_mem>>) {add = true}
        %dma_wait3A = arith.constant 0 : i32
        %dma_wait3A_40 = tpu.memref_slice %arg4[%add3A_34, %dma_wait3A] : memref<40x128xi32, #tpu.memory_space<vmem>> -> memref<1x128xi32, #tpu.memory_space<vmem>>
        %dma_wait3A_41 = tpu.memref_squeeze %dma_wait3A_40 : memref<1x128xi32, #tpu.memory_space<vmem>> -> memref<128xi32, #tpu.memory_space<vmem>>
        %dma_wait3A_42 = arith.constant 0 : i32
        %dma_wait3A_43 = arith.constant 0 : i32
        %dma_wait3A_44 = tpu.memref_slice %arg7[%dma_wait3A_42, %dma_wait3A_43] : memref<10240x128xf32, #tpu.memory_space<vmem_shared>> -> memref<10240x128xf32, #tpu.memory_space<vmem_shared>>
        tpu.wait_indirect_dma semaphore(%run_scoped3A : memref<!tpu.dma_semaphore, #tpu.memory_space<semaphore_mem>>) src(%arg5 : memref<128x128xf32, #tpu.memory_space<vmem>>) dst(%dma_wait3A_44 : memref<10240x128xf32, #tpu.memory_space<vmem_shared>>)
        tpu.yield
      }) : () -> ()
    }
    %scan3A_24 = arith.constant 40 : i32
    %barrier3A_25 = arith.constant 0 : index
    tpu.barrier barrier_id(%barrier3A_25)
    %mul3A_26 = arith.constant 640 : i32
    %mul3A_27 = arith.muli %arg1, %mul3A_26 : i32
    %mul3A_28 = arith.constant 640 : i32
    %mul3A_29 = arith.muli %arg1, %mul3A_28 : i32
    "tpu.region"() ({
      %run_scoped3A = tpu.sem_alloc : memref<!tpu.dma_semaphore, #tpu.memory_space<semaphore_mem>>
      %dma_start3A = arith.constant 0 : i32
      %dma_start3A_30 = tpu.memref_slice %arg3[%arg0, %mul3A_29, %dma_start3A] : memref<2x10240x128xf32, #tpu.memory_space<hbm>> -> memref<1x640x128xf32, #tpu.memory_space<hbm>>
      %dma_start3A_31 = tpu.memref_squeeze %dma_start3A_30 : memref<1x640x128xf32, #tpu.memory_space<hbm>> -> memref<640x128xf32, #tpu.memory_space<hbm>>
      %dma_start3A_32 = arith.constant 0 : i32
      %dma_start3A_33 = tpu.memref_slice %arg7[%mul3A_27, %dma_start3A_32] : memref<10240x128xf32, #tpu.memory_space<vmem_shared>> -> memref<640x128xf32, #tpu.memory_space<vmem_shared>>
      tpu.enqueue_dma source(%dma_start3A_33 : memref<640x128xf32, #tpu.memory_space<vmem_shared>>) target(%dma_start3A_31 : memref<640x128xf32, #tpu.memory_space<hbm>>) target_semaphore(%run_scoped3A : memref<!tpu.dma_semaphore, #tpu.memory_space<semaphore_mem>>)
      %dma_wait3A = arith.constant 0 : i32
      %dma_wait3A_34 = tpu.memref_slice %arg3[%arg0, %mul3A_29, %dma_wait3A] : memref<2x10240x128xf32, #tpu.memory_space<hbm>> -> memref<1x640x128xf32, #tpu.memory_space<hbm>>
      %dma_wait3A_35 = tpu.memref_squeeze %dma_wait3A_34 : memref<1x640x128xf32, #tpu.memory_space<hbm>> -> memref<640x128xf32, #tpu.memory_space<hbm>>
      %dma_wait3A_36 = arith.constant 0 : i32
      %dma_wait3A_37 = tpu.memref_slice %arg7[%mul3A_27, %dma_wait3A_36] : memref<10240x128xf32, #tpu.memory_space<vmem_shared>> -> memref<640x128xf32, #tpu.memory_space<vmem_shared>>
      tpu.wait_dma2 semaphore(%run_scoped3A : memref<!tpu.dma_semaphore, #tpu.memory_space<semaphore_mem>>) src(%dma_wait3A_37 : memref<640x128xf32, #tpu.memory_space<vmem_shared>>) dst(%dma_wait3A_35 : memref<640x128xf32, #tpu.memory_space<hbm>>)
      tpu.yield
    }) : () -> ()
    return
  }
}

#map = affine_map<(d0, d1) -> (0, 0)>
#map1 = affine_map<(d0, d1) -> (0, 0, 0)>
module attributes {stable_mosaic.version = 14 : i64} {
  func.func @k(%arg0: i32, %arg1: i32, %arg2: memref<10240x128xf32, #tpu.memory_space<hbm>>, %arg3: memref<1280x128xi32, #tpu.memory_space<hbm>>, %arg4: memref<1280x128xi32, #tpu.memory_space<hbm>>, %arg5: memref<2x10240x128xf32, #tpu.memory_space<hbm>>, %arg6: memref<40x128xi32, #tpu.memory_space<vmem>>, %arg7: memref<40x128xi32, #tpu.memory_space<vmem>>, %arg8: memref<128x128xf32, #tpu.memory_space<vmem>>, %arg9: memref<128x128xf32, #tpu.memory_space<vmem>>, %arg10: memref<10240x128xf32, #tpu.memory_space<vmem_shared>>, %arg11: memref<!tpu.dma_semaphore, #tpu.memory_space<semaphore_mem>>, %arg12: memref<!tpu.dma_semaphore, #tpu.memory_space<semaphore_mem>>, %arg13: memref<!tpu.dma_semaphore, #tpu.memory_space<semaphore_mem>>, %arg14: memref<!tpu.dma_semaphore, #tpu.memory_space<semaphore_mem>>) attributes {dimension_semantics = [#tpu.dimension_semantics<core_parallel>, #tpu.dimension_semantics<subcore_parallel>], iteration_bounds = array<i64: 2, 16>, scalar_prefetch = 0 : i64, scratch_operands = 9 : i64, tpu.core_type = #tpu.core_type<sc_vector_subcore>, window_params = [{transform_indices = #map}, {transform_indices = #map}, {transform_indices = #map}, {transform_indices = #map1}]} {
    %mul3A = arith.constant 16 : i32
    %mul3A_0 = arith.muli %arg0, %mul3A : i32
    %add3A = arith.addi %mul3A_0, %arg1 : i32
    %mul3A_1 = arith.constant 40 : i32
    %mul3A_2 = arith.muli %add3A, %mul3A_1 : i32
    "tpu.region"() ({
      %run_scoped3A = tpu.sem_alloc : memref<!tpu.dma_semaphore, #tpu.memory_space<semaphore_mem>>
      %dma_start3A = arith.constant 0 : i32
      %dma_start3A_18 = tpu.memref_slice %arg3[%mul3A_2, %dma_start3A] : memref<1280x128xi32, #tpu.memory_space<hbm>> -> memref<40x128xi32, #tpu.memory_space<hbm>>
      %dma_start3A_19 = arith.constant 0 : i32
      %dma_start3A_20 = tpu.memref_slice %arg3[%mul3A_2, %dma_start3A_19] : memref<1280x128xi32, #tpu.memory_space<hbm>> -> memref<40x128xi32, #tpu.memory_space<hbm>>
      tpu.enqueue_dma source(%dma_start3A_20 : memref<40x128xi32, #tpu.memory_space<hbm>>) target(%arg6 : memref<40x128xi32, #tpu.memory_space<vmem>>) target_semaphore(%run_scoped3A : memref<!tpu.dma_semaphore, #tpu.memory_space<semaphore_mem>>)
      %dma_wait3A = arith.constant 0 : i32
      %dma_wait3A_21 = tpu.memref_slice %arg3[%mul3A_2, %dma_wait3A] : memref<1280x128xi32, #tpu.memory_space<hbm>> -> memref<40x128xi32, #tpu.memory_space<hbm>>
      %dma_wait3A_22 = arith.constant 0 : i32
      %dma_wait3A_23 = tpu.memref_slice %arg3[%mul3A_2, %dma_wait3A_22] : memref<1280x128xi32, #tpu.memory_space<hbm>> -> memref<40x128xi32, #tpu.memory_space<hbm>>
      tpu.wait_dma2 semaphore(%run_scoped3A : memref<!tpu.dma_semaphore, #tpu.memory_space<semaphore_mem>>) src(%dma_wait3A_23 : memref<40x128xi32, #tpu.memory_space<hbm>>) dst(%arg6 : memref<40x128xi32, #tpu.memory_space<vmem>>)
      tpu.yield
    }) : () -> ()
    %mul3A_3 = arith.constant 40 : i32
    %mul3A_4 = arith.muli %add3A, %mul3A_3 : i32
    "tpu.region"() ({
      %run_scoped3A = tpu.sem_alloc : memref<!tpu.dma_semaphore, #tpu.memory_space<semaphore_mem>>
      %dma_start3A = arith.constant 0 : i32
      %dma_start3A_18 = tpu.memref_slice %arg4[%mul3A_4, %dma_start3A] : memref<1280x128xi32, #tpu.memory_space<hbm>> -> memref<40x128xi32, #tpu.memory_space<hbm>>
      %dma_start3A_19 = arith.constant 0 : i32
      %dma_start3A_20 = tpu.memref_slice %arg4[%mul3A_4, %dma_start3A_19] : memref<1280x128xi32, #tpu.memory_space<hbm>> -> memref<40x128xi32, #tpu.memory_space<hbm>>
      tpu.enqueue_dma source(%dma_start3A_20 : memref<40x128xi32, #tpu.memory_space<hbm>>) target(%arg7 : memref<40x128xi32, #tpu.memory_space<vmem>>) target_semaphore(%run_scoped3A : memref<!tpu.dma_semaphore, #tpu.memory_space<semaphore_mem>>)
      %dma_wait3A = arith.constant 0 : i32
      %dma_wait3A_21 = tpu.memref_slice %arg4[%mul3A_4, %dma_wait3A] : memref<1280x128xi32, #tpu.memory_space<hbm>> -> memref<40x128xi32, #tpu.memory_space<hbm>>
      %dma_wait3A_22 = arith.constant 0 : i32
      %dma_wait3A_23 = tpu.memref_slice %arg4[%mul3A_4, %dma_wait3A_22] : memref<1280x128xi32, #tpu.memory_space<hbm>> -> memref<40x128xi32, #tpu.memory_space<hbm>>
      tpu.wait_dma2 semaphore(%run_scoped3A : memref<!tpu.dma_semaphore, #tpu.memory_space<semaphore_mem>>) src(%dma_wait3A_23 : memref<40x128xi32, #tpu.memory_space<hbm>>) dst(%arg7 : memref<40x128xi32, #tpu.memory_space<vmem>>)
      tpu.yield
    }) : () -> ()
    %mul3A_5 = arith.constant 640 : i32
    %mul3A_6 = arith.muli %arg1, %mul3A_5 : i32
    %mul3A_7 = arith.constant 640 : i32
    %mul3A_8 = arith.muli %arg1, %mul3A_7 : i32
    "tpu.region"() ({
      %run_scoped3A = tpu.sem_alloc : memref<!tpu.dma_semaphore, #tpu.memory_space<semaphore_mem>>
      %dma_start3A = arith.constant 0 : i32
      %dma_start3A_18 = tpu.memref_slice %arg10[%mul3A_8, %dma_start3A] : memref<10240x128xf32, #tpu.memory_space<vmem_shared>> -> memref<640x128xf32, #tpu.memory_space<vmem_shared>>
      %dma_start3A_19 = arith.constant 0 : i32
      %dma_start3A_20 = tpu.memref_slice %arg2[%mul3A_6, %dma_start3A_19] : memref<10240x128xf32, #tpu.memory_space<hbm>> -> memref<640x128xf32, #tpu.memory_space<hbm>>
      tpu.enqueue_dma source(%dma_start3A_20 : memref<640x128xf32, #tpu.memory_space<hbm>>) target(%dma_start3A_18 : memref<640x128xf32, #tpu.memory_space<vmem_shared>>) target_semaphore(%run_scoped3A : memref<!tpu.dma_semaphore, #tpu.memory_space<semaphore_mem>>)
      %dma_wait3A = arith.constant 0 : i32
      %dma_wait3A_21 = tpu.memref_slice %arg10[%mul3A_8, %dma_wait3A] : memref<10240x128xf32, #tpu.memory_space<vmem_shared>> -> memref<640x128xf32, #tpu.memory_space<vmem_shared>>
      %dma_wait3A_22 = arith.constant 0 : i32
      %dma_wait3A_23 = tpu.memref_slice %arg2[%mul3A_6, %dma_wait3A_22] : memref<10240x128xf32, #tpu.memory_space<hbm>> -> memref<640x128xf32, #tpu.memory_space<hbm>>
      tpu.wait_dma2 semaphore(%run_scoped3A : memref<!tpu.dma_semaphore, #tpu.memory_space<semaphore_mem>>) src(%dma_wait3A_23 : memref<640x128xf32, #tpu.memory_space<hbm>>) dst(%dma_wait3A_21 : memref<640x128xf32, #tpu.memory_space<vmem_shared>>)
      tpu.yield
    }) : () -> ()
    %barrier3A = arith.constant 0 : index
    tpu.barrier barrier_id(%barrier3A)
    %scan3A = arith.constant 0 : i32
    %scan3A_9 = arith.constant 20 : i32
    %scan3A_10 = arith.addi %scan3A, %scan3A_9 : i32
    %scan3A_11 = arith.constant 1 : i32
    scf.for %scan3A_18 = %scan3A to %scan3A_10 step %scan3A_11  : i32 {
      %mul3A_19 = arith.constant 2 : i32
      %mul3A_20 = arith.muli %scan3A_18, %mul3A_19 : i32
      %add3A_21 = arith.constant 0 : i32
      %add3A_22 = arith.addi %add3A_21, %mul3A_20 : i32
      %add3A_23 = arith.constant 0 : i32
      %add3A_24 = arith.addi %add3A_22, %add3A_23 : i32
      %dma_start3A = arith.constant 0 : i32
      %dma_start3A_25 = tpu.memref_slice %arg6[%add3A_24, %dma_start3A] : memref<40x128xi32, #tpu.memory_space<vmem>> -> memref<1x128xi32, #tpu.memory_space<vmem>>
      %dma_start3A_26 = tpu.memref_squeeze %dma_start3A_25 : memref<1x128xi32, #tpu.memory_space<vmem>> -> memref<128xi32, #tpu.memory_space<vmem>>
      %dma_start3A_27 = arith.constant 0 : i32
      %dma_start3A_28 = arith.constant 0 : i32
      %dma_start3A_29 = tpu.memref_slice %arg2[%dma_start3A_27, %dma_start3A_28] : memref<10240x128xf32, #tpu.memory_space<hbm>> -> memref<10240x128xf32, #tpu.memory_space<hbm>>
      tpu.enqueue_indirect_dma source(%dma_start3A_29 : memref<10240x128xf32, #tpu.memory_space<hbm>>) target(%arg8 : memref<128x128xf32, #tpu.memory_space<vmem>>) offsets(%dma_start3A_26 : memref<128xi32, #tpu.memory_space<vmem>>) semaphore(%arg11 : memref<!tpu.dma_semaphore, #tpu.memory_space<semaphore_mem>>)
      %add3A_30 = arith.constant 1 : i32
      %add3A_31 = arith.addi %add3A_22, %add3A_30 : i32
      %dma_start3A_32 = arith.constant 0 : i32
      %dma_start3A_33 = tpu.memref_slice %arg6[%add3A_31, %dma_start3A_32] : memref<40x128xi32, #tpu.memory_space<vmem>> -> memref<1x128xi32, #tpu.memory_space<vmem>>
      %dma_start3A_34 = tpu.memref_squeeze %dma_start3A_33 : memref<1x128xi32, #tpu.memory_space<vmem>> -> memref<128xi32, #tpu.memory_space<vmem>>
      %dma_start3A_35 = arith.constant 0 : i32
      %dma_start3A_36 = arith.constant 0 : i32
      %dma_start3A_37 = tpu.memref_slice %arg2[%dma_start3A_35, %dma_start3A_36] : memref<10240x128xf32, #tpu.memory_space<hbm>> -> memref<10240x128xf32, #tpu.memory_space<hbm>>
      tpu.enqueue_indirect_dma source(%dma_start3A_37 : memref<10240x128xf32, #tpu.memory_space<hbm>>) target(%arg9 : memref<128x128xf32, #tpu.memory_space<vmem>>) offsets(%dma_start3A_34 : memref<128xi32, #tpu.memory_space<vmem>>) semaphore(%arg12 : memref<!tpu.dma_semaphore, #tpu.memory_space<semaphore_mem>>)
      %dma_wait3A = arith.constant 0 : i32
      %dma_wait3A_38 = tpu.memref_slice %arg6[%add3A_24, %dma_wait3A] : memref<40x128xi32, #tpu.memory_space<vmem>> -> memref<1x128xi32, #tpu.memory_space<vmem>>
      %dma_wait3A_39 = tpu.memref_squeeze %dma_wait3A_38 : memref<1x128xi32, #tpu.memory_space<vmem>> -> memref<128xi32, #tpu.memory_space<vmem>>
      %dma_wait3A_40 = arith.constant 0 : i32
      %dma_wait3A_41 = arith.constant 0 : i32
      %dma_wait3A_42 = tpu.memref_slice %arg2[%dma_wait3A_40, %dma_wait3A_41] : memref<10240x128xf32, #tpu.memory_space<hbm>> -> memref<10240x128xf32, #tpu.memory_space<hbm>>
      tpu.wait_indirect_dma semaphore(%arg11 : memref<!tpu.dma_semaphore, #tpu.memory_space<semaphore_mem>>) src(%dma_wait3A_42 : memref<10240x128xf32, #tpu.memory_space<hbm>>) dst(%arg8 : memref<128x128xf32, #tpu.memory_space<vmem>>)
      %add3A_43 = arith.constant 0 : i32
      %add3A_44 = arith.addi %add3A_22, %add3A_43 : i32
      %dma_start3A_45 = arith.constant 0 : i32
      %dma_start3A_46 = tpu.memref_slice %arg7[%add3A_44, %dma_start3A_45] : memref<40x128xi32, #tpu.memory_space<vmem>> -> memref<1x128xi32, #tpu.memory_space<vmem>>
      %dma_start3A_47 = tpu.memref_squeeze %dma_start3A_46 : memref<1x128xi32, #tpu.memory_space<vmem>> -> memref<128xi32, #tpu.memory_space<vmem>>
      %dma_start3A_48 = arith.constant 0 : i32
      %dma_start3A_49 = arith.constant 0 : i32
      %dma_start3A_50 = tpu.memref_slice %arg10[%dma_start3A_48, %dma_start3A_49] : memref<10240x128xf32, #tpu.memory_space<vmem_shared>> -> memref<10240x128xf32, #tpu.memory_space<vmem_shared>>
      tpu.enqueue_indirect_dma source(%arg8 : memref<128x128xf32, #tpu.memory_space<vmem>>) target(%dma_start3A_50 : memref<10240x128xf32, #tpu.memory_space<vmem_shared>>) offsets(%dma_start3A_47 : memref<128xi32, #tpu.memory_space<vmem>>) semaphore(%arg13 : memref<!tpu.dma_semaphore, #tpu.memory_space<semaphore_mem>>) {add = true}
      %dma_wait3A_51 = arith.constant 0 : i32
      %dma_wait3A_52 = tpu.memref_slice %arg6[%add3A_31, %dma_wait3A_51] : memref<40x128xi32, #tpu.memory_space<vmem>> -> memref<1x128xi32, #tpu.memory_space<vmem>>
      %dma_wait3A_53 = tpu.memref_squeeze %dma_wait3A_52 : memref<1x128xi32, #tpu.memory_space<vmem>> -> memref<128xi32, #tpu.memory_space<vmem>>
      %dma_wait3A_54 = arith.constant 0 : i32
      %dma_wait3A_55 = arith.constant 0 : i32
      %dma_wait3A_56 = tpu.memref_slice %arg2[%dma_wait3A_54, %dma_wait3A_55] : memref<10240x128xf32, #tpu.memory_space<hbm>> -> memref<10240x128xf32, #tpu.memory_space<hbm>>
      tpu.wait_indirect_dma semaphore(%arg12 : memref<!tpu.dma_semaphore, #tpu.memory_space<semaphore_mem>>) src(%dma_wait3A_56 : memref<10240x128xf32, #tpu.memory_space<hbm>>) dst(%arg9 : memref<128x128xf32, #tpu.memory_space<vmem>>)
      %add3A_57 = arith.constant 1 : i32
      %add3A_58 = arith.addi %add3A_22, %add3A_57 : i32
      %dma_start3A_59 = arith.constant 0 : i32
      %dma_start3A_60 = tpu.memref_slice %arg7[%add3A_58, %dma_start3A_59] : memref<40x128xi32, #tpu.memory_space<vmem>> -> memref<1x128xi32, #tpu.memory_space<vmem>>
      %dma_start3A_61 = tpu.memref_squeeze %dma_start3A_60 : memref<1x128xi32, #tpu.memory_space<vmem>> -> memref<128xi32, #tpu.memory_space<vmem>>
      %dma_start3A_62 = arith.constant 0 : i32
      %dma_start3A_63 = arith.constant 0 : i32
      %dma_start3A_64 = tpu.memref_slice %arg10[%dma_start3A_62, %dma_start3A_63] : memref<10240x128xf32, #tpu.memory_space<vmem_shared>> -> memref<10240x128xf32, #tpu.memory_space<vmem_shared>>
      tpu.enqueue_indirect_dma source(%arg9 : memref<128x128xf32, #tpu.memory_space<vmem>>) target(%dma_start3A_64 : memref<10240x128xf32, #tpu.memory_space<vmem_shared>>) offsets(%dma_start3A_61 : memref<128xi32, #tpu.memory_space<vmem>>) semaphore(%arg14 : memref<!tpu.dma_semaphore, #tpu.memory_space<semaphore_mem>>) {add = true}
      %dma_wait3A_65 = arith.constant 0 : i32
      %dma_wait3A_66 = tpu.memref_slice %arg7[%add3A_44, %dma_wait3A_65] : memref<40x128xi32, #tpu.memory_space<vmem>> -> memref<1x128xi32, #tpu.memory_space<vmem>>
      %dma_wait3A_67 = tpu.memref_squeeze %dma_wait3A_66 : memref<1x128xi32, #tpu.memory_space<vmem>> -> memref<128xi32, #tpu.memory_space<vmem>>
      %dma_wait3A_68 = arith.constant 0 : i32
      %dma_wait3A_69 = arith.constant 0 : i32
      %dma_wait3A_70 = tpu.memref_slice %arg10[%dma_wait3A_68, %dma_wait3A_69] : memref<10240x128xf32, #tpu.memory_space<vmem_shared>> -> memref<10240x128xf32, #tpu.memory_space<vmem_shared>>
      tpu.wait_indirect_dma semaphore(%arg13 : memref<!tpu.dma_semaphore, #tpu.memory_space<semaphore_mem>>) src(%arg8 : memref<128x128xf32, #tpu.memory_space<vmem>>) dst(%dma_wait3A_70 : memref<10240x128xf32, #tpu.memory_space<vmem_shared>>)
      %dma_wait3A_71 = arith.constant 0 : i32
      %dma_wait3A_72 = tpu.memref_slice %arg7[%add3A_58, %dma_wait3A_71] : memref<40x128xi32, #tpu.memory_space<vmem>> -> memref<1x128xi32, #tpu.memory_space<vmem>>
      %dma_wait3A_73 = tpu.memref_squeeze %dma_wait3A_72 : memref<1x128xi32, #tpu.memory_space<vmem>> -> memref<128xi32, #tpu.memory_space<vmem>>
      %dma_wait3A_74 = arith.constant 0 : i32
      %dma_wait3A_75 = arith.constant 0 : i32
      %dma_wait3A_76 = tpu.memref_slice %arg10[%dma_wait3A_74, %dma_wait3A_75] : memref<10240x128xf32, #tpu.memory_space<vmem_shared>> -> memref<10240x128xf32, #tpu.memory_space<vmem_shared>>
      tpu.wait_indirect_dma semaphore(%arg14 : memref<!tpu.dma_semaphore, #tpu.memory_space<semaphore_mem>>) src(%arg9 : memref<128x128xf32, #tpu.memory_space<vmem>>) dst(%dma_wait3A_76 : memref<10240x128xf32, #tpu.memory_space<vmem_shared>>)
    }
    %scan3A_12 = arith.constant 20 : i32
    %barrier3A_13 = arith.constant 0 : index
    tpu.barrier barrier_id(%barrier3A_13)
    %mul3A_14 = arith.constant 640 : i32
    %mul3A_15 = arith.muli %arg1, %mul3A_14 : i32
    %mul3A_16 = arith.constant 640 : i32
    %mul3A_17 = arith.muli %arg1, %mul3A_16 : i32
    "tpu.region"() ({
      %run_scoped3A = tpu.sem_alloc : memref<!tpu.dma_semaphore, #tpu.memory_space<semaphore_mem>>
      %dma_start3A = arith.constant 0 : i32
      %dma_start3A_18 = tpu.memref_slice %arg5[%arg0, %mul3A_17, %dma_start3A] : memref<2x10240x128xf32, #tpu.memory_space<hbm>> -> memref<1x640x128xf32, #tpu.memory_space<hbm>>
      %dma_start3A_19 = tpu.memref_squeeze %dma_start3A_18 : memref<1x640x128xf32, #tpu.memory_space<hbm>> -> memref<640x128xf32, #tpu.memory_space<hbm>>
      %dma_start3A_20 = arith.constant 0 : i32
      %dma_start3A_21 = tpu.memref_slice %arg10[%mul3A_15, %dma_start3A_20] : memref<10240x128xf32, #tpu.memory_space<vmem_shared>> -> memref<640x128xf32, #tpu.memory_space<vmem_shared>>
      tpu.enqueue_dma source(%dma_start3A_21 : memref<640x128xf32, #tpu.memory_space<vmem_shared>>) target(%dma_start3A_19 : memref<640x128xf32, #tpu.memory_space<hbm>>) target_semaphore(%run_scoped3A : memref<!tpu.dma_semaphore, #tpu.memory_space<semaphore_mem>>)
      %dma_wait3A = arith.constant 0 : i32
      %dma_wait3A_22 = tpu.memref_slice %arg5[%arg0, %mul3A_17, %dma_wait3A] : memref<2x10240x128xf32, #tpu.memory_space<hbm>> -> memref<1x640x128xf32, #tpu.memory_space<hbm>>
      %dma_wait3A_23 = tpu.memref_squeeze %dma_wait3A_22 : memref<1x640x128xf32, #tpu.memory_space<hbm>> -> memref<640x128xf32, #tpu.memory_space<hbm>>
      %dma_wait3A_24 = arith.constant 0 : i32
      %dma_wait3A_25 = tpu.memref_slice %arg10[%mul3A_15, %dma_wait3A_24] : memref<10240x128xf32, #tpu.memory_space<vmem_shared>> -> memref<640x128xf32, #tpu.memory_space<vmem_shared>>
      tpu.wait_dma2 semaphore(%run_scoped3A : memref<!tpu.dma_semaphore, #tpu.memory_space<semaphore_mem>>) src(%dma_wait3A_25 : memref<640x128xf32, #tpu.memory_space<vmem_shared>>) dst(%dma_wait3A_23 : memref<640x128xf32, #tpu.memory_space<hbm>>)
      tpu.yield
    }) : () -> ()
    return
  }
}

#map = affine_map<(d0, d1) -> (0, 0)>
#map1 = affine_map<(d0, d1) -> (0, 0, 0)>
module attributes {stable_mosaic.version = 14 : i64} {
  func.func @k(%arg0: i32, %arg1: i32, %arg2: memref<10240x128xf32, #tpu.memory_space<hbm>>, %arg3: memref<1280x128xi32, #tpu.memory_space<hbm>>, %arg4: memref<1280x128xi32, #tpu.memory_space<hbm>>, %arg5: memref<2x10240x128xf32, #tpu.memory_space<hbm>>, %arg6: memref<40x128xi32, #tpu.memory_space<vmem>>, %arg7: memref<40x128xi32, #tpu.memory_space<vmem>>, %arg8: memref<128x128xf32, #tpu.memory_space<vmem>>, %arg9: memref<128x128xf32, #tpu.memory_space<vmem>>, %arg10: memref<10240x128xf32, #tpu.memory_space<vmem_shared>>, %arg11: memref<!tpu.dma_semaphore, #tpu.memory_space<semaphore_mem>>, %arg12: memref<!tpu.dma_semaphore, #tpu.memory_space<semaphore_mem>>, %arg13: memref<!tpu.dma_semaphore, #tpu.memory_space<semaphore_mem>>, %arg14: memref<!tpu.dma_semaphore, #tpu.memory_space<semaphore_mem>>) attributes {dimension_semantics = [#tpu.dimension_semantics<core_parallel>, #tpu.dimension_semantics<subcore_parallel>], iteration_bounds = array<i64: 2, 16>, scalar_prefetch = 0 : i64, scratch_operands = 9 : i64, tpu.core_type = #tpu.core_type<sc_vector_subcore>, window_params = [{transform_indices = #map}, {transform_indices = #map}, {transform_indices = #map}, {transform_indices = #map1}]} {
    %mul3A = arith.constant 16 : i32
    %mul3A_0 = arith.muli %arg0, %mul3A : i32
    %add3A = arith.addi %mul3A_0, %arg1 : i32
    %mul3A_1 = arith.constant 40 : i32
    %mul3A_2 = arith.muli %add3A, %mul3A_1 : i32
    "tpu.region"() ({
      %run_scoped3A = tpu.sem_alloc : memref<!tpu.dma_semaphore, #tpu.memory_space<semaphore_mem>>
      %dma_start3A = arith.constant 0 : i32
      %dma_start3A_18 = tpu.memref_slice %arg3[%mul3A_2, %dma_start3A] : memref<1280x128xi32, #tpu.memory_space<hbm>> -> memref<40x128xi32, #tpu.memory_space<hbm>>
      %dma_start3A_19 = arith.constant 0 : i32
      %dma_start3A_20 = tpu.memref_slice %arg3[%mul3A_2, %dma_start3A_19] : memref<1280x128xi32, #tpu.memory_space<hbm>> -> memref<40x128xi32, #tpu.memory_space<hbm>>
      tpu.enqueue_dma source(%dma_start3A_20 : memref<40x128xi32, #tpu.memory_space<hbm>>) target(%arg6 : memref<40x128xi32, #tpu.memory_space<vmem>>) target_semaphore(%run_scoped3A : memref<!tpu.dma_semaphore, #tpu.memory_space<semaphore_mem>>)
      %dma_wait3A = arith.constant 0 : i32
      %dma_wait3A_21 = tpu.memref_slice %arg3[%mul3A_2, %dma_wait3A] : memref<1280x128xi32, #tpu.memory_space<hbm>> -> memref<40x128xi32, #tpu.memory_space<hbm>>
      %dma_wait3A_22 = arith.constant 0 : i32
      %dma_wait3A_23 = tpu.memref_slice %arg3[%mul3A_2, %dma_wait3A_22] : memref<1280x128xi32, #tpu.memory_space<hbm>> -> memref<40x128xi32, #tpu.memory_space<hbm>>
      tpu.wait_dma2 semaphore(%run_scoped3A : memref<!tpu.dma_semaphore, #tpu.memory_space<semaphore_mem>>) src(%dma_wait3A_23 : memref<40x128xi32, #tpu.memory_space<hbm>>) dst(%arg6 : memref<40x128xi32, #tpu.memory_space<vmem>>)
      tpu.yield
    }) : () -> ()
    %mul3A_3 = arith.constant 40 : i32
    %mul3A_4 = arith.muli %add3A, %mul3A_3 : i32
    "tpu.region"() ({
      %run_scoped3A = tpu.sem_alloc : memref<!tpu.dma_semaphore, #tpu.memory_space<semaphore_mem>>
      %dma_start3A = arith.constant 0 : i32
      %dma_start3A_18 = tpu.memref_slice %arg4[%mul3A_4, %dma_start3A] : memref<1280x128xi32, #tpu.memory_space<hbm>> -> memref<40x128xi32, #tpu.memory_space<hbm>>
      %dma_start3A_19 = arith.constant 0 : i32
      %dma_start3A_20 = tpu.memref_slice %arg4[%mul3A_4, %dma_start3A_19] : memref<1280x128xi32, #tpu.memory_space<hbm>> -> memref<40x128xi32, #tpu.memory_space<hbm>>
      tpu.enqueue_dma source(%dma_start3A_20 : memref<40x128xi32, #tpu.memory_space<hbm>>) target(%arg7 : memref<40x128xi32, #tpu.memory_space<vmem>>) target_semaphore(%run_scoped3A : memref<!tpu.dma_semaphore, #tpu.memory_space<semaphore_mem>>)
      %dma_wait3A = arith.constant 0 : i32
      %dma_wait3A_21 = tpu.memref_slice %arg4[%mul3A_4, %dma_wait3A] : memref<1280x128xi32, #tpu.memory_space<hbm>> -> memref<40x128xi32, #tpu.memory_space<hbm>>
      %dma_wait3A_22 = arith.constant 0 : i32
      %dma_wait3A_23 = tpu.memref_slice %arg4[%mul3A_4, %dma_wait3A_22] : memref<1280x128xi32, #tpu.memory_space<hbm>> -> memref<40x128xi32, #tpu.memory_space<hbm>>
      tpu.wait_dma2 semaphore(%run_scoped3A : memref<!tpu.dma_semaphore, #tpu.memory_space<semaphore_mem>>) src(%dma_wait3A_23 : memref<40x128xi32, #tpu.memory_space<hbm>>) dst(%arg7 : memref<40x128xi32, #tpu.memory_space<vmem>>)
      tpu.yield
    }) : () -> ()
    %mul3A_5 = arith.constant 640 : i32
    %mul3A_6 = arith.muli %arg1, %mul3A_5 : i32
    %mul3A_7 = arith.constant 640 : i32
    %mul3A_8 = arith.muli %arg1, %mul3A_7 : i32
    "tpu.region"() ({
      %run_scoped3A = tpu.sem_alloc : memref<!tpu.dma_semaphore, #tpu.memory_space<semaphore_mem>>
      %dma_start3A = arith.constant 0 : i32
      %dma_start3A_18 = tpu.memref_slice %arg10[%mul3A_8, %dma_start3A] : memref<10240x128xf32, #tpu.memory_space<vmem_shared>> -> memref<640x128xf32, #tpu.memory_space<vmem_shared>>
      %dma_start3A_19 = arith.constant 0 : i32
      %dma_start3A_20 = tpu.memref_slice %arg2[%mul3A_6, %dma_start3A_19] : memref<10240x128xf32, #tpu.memory_space<hbm>> -> memref<640x128xf32, #tpu.memory_space<hbm>>
      tpu.enqueue_dma source(%dma_start3A_20 : memref<640x128xf32, #tpu.memory_space<hbm>>) target(%dma_start3A_18 : memref<640x128xf32, #tpu.memory_space<vmem_shared>>) target_semaphore(%run_scoped3A : memref<!tpu.dma_semaphore, #tpu.memory_space<semaphore_mem>>)
      %dma_wait3A = arith.constant 0 : i32
      %dma_wait3A_21 = tpu.memref_slice %arg10[%mul3A_8, %dma_wait3A] : memref<10240x128xf32, #tpu.memory_space<vmem_shared>> -> memref<640x128xf32, #tpu.memory_space<vmem_shared>>
      %dma_wait3A_22 = arith.constant 0 : i32
      %dma_wait3A_23 = tpu.memref_slice %arg2[%mul3A_6, %dma_wait3A_22] : memref<10240x128xf32, #tpu.memory_space<hbm>> -> memref<640x128xf32, #tpu.memory_space<hbm>>
      tpu.wait_dma2 semaphore(%run_scoped3A : memref<!tpu.dma_semaphore, #tpu.memory_space<semaphore_mem>>) src(%dma_wait3A_23 : memref<640x128xf32, #tpu.memory_space<hbm>>) dst(%dma_wait3A_21 : memref<640x128xf32, #tpu.memory_space<vmem_shared>>)
      tpu.yield
    }) : () -> ()
    %barrier3A = arith.constant 0 : index
    tpu.barrier barrier_id(%barrier3A)
    %scan3A = arith.constant 0 : i32
    %scan3A_9 = arith.constant 20 : i32
    %scan3A_10 = arith.addi %scan3A, %scan3A_9 : i32
    %scan3A_11 = arith.constant 1 : i32
    scf.for %scan3A_18 = %scan3A to %scan3A_10 step %scan3A_11  : i32 {
      %mul3A_19 = arith.constant 2 : i32
      %mul3A_20 = arith.muli %scan3A_18, %mul3A_19 : i32
      %add3A_21 = arith.constant 0 : i32
      %add3A_22 = arith.addi %add3A_21, %mul3A_20 : i32
      %add3A_23 = arith.constant 0 : i32
      %add3A_24 = arith.addi %add3A_22, %add3A_23 : i32
      %dma_start3A = arith.constant 0 : i32
      %dma_start3A_25 = tpu.memref_slice %arg6[%add3A_24, %dma_start3A] : memref<40x128xi32, #tpu.memory_space<vmem>> -> memref<1x128xi32, #tpu.memory_space<vmem>>
      %dma_start3A_26 = tpu.memref_squeeze %dma_start3A_25 : memref<1x128xi32, #tpu.memory_space<vmem>> -> memref<128xi32, #tpu.memory_space<vmem>>
      %dma_start3A_27 = arith.constant 0 : i32
      %dma_start3A_28 = arith.constant 0 : i32
      %dma_start3A_29 = tpu.memref_slice %arg2[%dma_start3A_27, %dma_start3A_28] : memref<10240x128xf32, #tpu.memory_space<hbm>> -> memref<10240x128xf32, #tpu.memory_space<hbm>>
      tpu.enqueue_indirect_dma source(%dma_start3A_29 : memref<10240x128xf32, #tpu.memory_space<hbm>>) target(%arg8 : memref<128x128xf32, #tpu.memory_space<vmem>>) offsets(%dma_start3A_26 : memref<128xi32, #tpu.memory_space<vmem>>) semaphore(%arg11 : memref<!tpu.dma_semaphore, #tpu.memory_space<semaphore_mem>>)
      %add3A_30 = arith.constant 1 : i32
      %add3A_31 = arith.addi %add3A_22, %add3A_30 : i32
      %dma_start3A_32 = arith.constant 0 : i32
      %dma_start3A_33 = tpu.memref_slice %arg6[%add3A_31, %dma_start3A_32] : memref<40x128xi32, #tpu.memory_space<vmem>> -> memref<1x128xi32, #tpu.memory_space<vmem>>
      %dma_start3A_34 = tpu.memref_squeeze %dma_start3A_33 : memref<1x128xi32, #tpu.memory_space<vmem>> -> memref<128xi32, #tpu.memory_space<vmem>>
      %dma_start3A_35 = arith.constant 0 : i32
      %dma_start3A_36 = arith.constant 0 : i32
      %dma_start3A_37 = tpu.memref_slice %arg2[%dma_start3A_35, %dma_start3A_36] : memref<10240x128xf32, #tpu.memory_space<hbm>> -> memref<10240x128xf32, #tpu.memory_space<hbm>>
      tpu.enqueue_indirect_dma source(%dma_start3A_37 : memref<10240x128xf32, #tpu.memory_space<hbm>>) target(%arg9 : memref<128x128xf32, #tpu.memory_space<vmem>>) offsets(%dma_start3A_34 : memref<128xi32, #tpu.memory_space<vmem>>) semaphore(%arg12 : memref<!tpu.dma_semaphore, #tpu.memory_space<semaphore_mem>>)
      %dma_wait3A = arith.constant 0 : i32
      %dma_wait3A_38 = tpu.memref_slice %arg6[%add3A_24, %dma_wait3A] : memref<40x128xi32, #tpu.memory_space<vmem>> -> memref<1x128xi32, #tpu.memory_space<vmem>>
      %dma_wait3A_39 = tpu.memref_squeeze %dma_wait3A_38 : memref<1x128xi32, #tpu.memory_space<vmem>> -> memref<128xi32, #tpu.memory_space<vmem>>
      %dma_wait3A_40 = arith.constant 0 : i32
      %dma_wait3A_41 = arith.constant 0 : i32
      %dma_wait3A_42 = tpu.memref_slice %arg2[%dma_wait3A_40, %dma_wait3A_41] : memref<10240x128xf32, #tpu.memory_space<hbm>> -> memref<10240x128xf32, #tpu.memory_space<hbm>>
      tpu.wait_indirect_dma semaphore(%arg11 : memref<!tpu.dma_semaphore, #tpu.memory_space<semaphore_mem>>) src(%dma_wait3A_42 : memref<10240x128xf32, #tpu.memory_space<hbm>>) dst(%arg8 : memref<128x128xf32, #tpu.memory_space<vmem>>)
      %add3A_43 = arith.constant 0 : i32
      %add3A_44 = arith.addi %add3A_22, %add3A_43 : i32
      %dma_start3A_45 = arith.constant 0 : i32
      %dma_start3A_46 = tpu.memref_slice %arg7[%add3A_44, %dma_start3A_45] : memref<40x128xi32, #tpu.memory_space<vmem>> -> memref<1x128xi32, #tpu.memory_space<vmem>>
      %dma_start3A_47 = tpu.memref_squeeze %dma_start3A_46 : memref<1x128xi32, #tpu.memory_space<vmem>> -> memref<128xi32, #tpu.memory_space<vmem>>
      %dma_start3A_48 = arith.constant 0 : i32
      %dma_start3A_49 = arith.constant 0 : i32
      %dma_start3A_50 = tpu.memref_slice %arg10[%dma_start3A_48, %dma_start3A_49] : memref<10240x128xf32, #tpu.memory_space<vmem_shared>> -> memref<10240x128xf32, #tpu.memory_space<vmem_shared>>
      tpu.enqueue_indirect_dma source(%arg8 : memref<128x128xf32, #tpu.memory_space<vmem>>) target(%dma_start3A_50 : memref<10240x128xf32, #tpu.memory_space<vmem_shared>>) offsets(%dma_start3A_47 : memref<128xi32, #tpu.memory_space<vmem>>) semaphore(%arg13 : memref<!tpu.dma_semaphore, #tpu.memory_space<semaphore_mem>>) {add = true}
      %dma_wait3A_51 = arith.constant 0 : i32
      %dma_wait3A_52 = tpu.memref_slice %arg6[%add3A_31, %dma_wait3A_51] : memref<40x128xi32, #tpu.memory_space<vmem>> -> memref<1x128xi32, #tpu.memory_space<vmem>>
      %dma_wait3A_53 = tpu.memref_squeeze %dma_wait3A_52 : memref<1x128xi32, #tpu.memory_space<vmem>> -> memref<128xi32, #tpu.memory_space<vmem>>
      %dma_wait3A_54 = arith.constant 0 : i32
      %dma_wait3A_55 = arith.constant 0 : i32
      %dma_wait3A_56 = tpu.memref_slice %arg2[%dma_wait3A_54, %dma_wait3A_55] : memref<10240x128xf32, #tpu.memory_space<hbm>> -> memref<10240x128xf32, #tpu.memory_space<hbm>>
      tpu.wait_indirect_dma semaphore(%arg12 : memref<!tpu.dma_semaphore, #tpu.memory_space<semaphore_mem>>) src(%dma_wait3A_56 : memref<10240x128xf32, #tpu.memory_space<hbm>>) dst(%arg9 : memref<128x128xf32, #tpu.memory_space<vmem>>)
      %add3A_57 = arith.constant 1 : i32
      %add3A_58 = arith.addi %add3A_22, %add3A_57 : i32
      %dma_start3A_59 = arith.constant 0 : i32
      %dma_start3A_60 = tpu.memref_slice %arg7[%add3A_58, %dma_start3A_59] : memref<40x128xi32, #tpu.memory_space<vmem>> -> memref<1x128xi32, #tpu.memory_space<vmem>>
      %dma_start3A_61 = tpu.memref_squeeze %dma_start3A_60 : memref<1x128xi32, #tpu.memory_space<vmem>> -> memref<128xi32, #tpu.memory_space<vmem>>
      %dma_start3A_62 = arith.constant 0 : i32
      %dma_start3A_63 = arith.constant 0 : i32
      %dma_start3A_64 = tpu.memref_slice %arg10[%dma_start3A_62, %dma_start3A_63] : memref<10240x128xf32, #tpu.memory_space<vmem_shared>> -> memref<10240x128xf32, #tpu.memory_space<vmem_shared>>
      tpu.enqueue_indirect_dma source(%arg9 : memref<128x128xf32, #tpu.memory_space<vmem>>) target(%dma_start3A_64 : memref<10240x128xf32, #tpu.memory_space<vmem_shared>>) offsets(%dma_start3A_61 : memref<128xi32, #tpu.memory_space<vmem>>) semaphore(%arg14 : memref<!tpu.dma_semaphore, #tpu.memory_space<semaphore_mem>>) {add = true}
      %dma_wait3A_65 = arith.constant 0 : i32
      %dma_wait3A_66 = tpu.memref_slice %arg7[%add3A_44, %dma_wait3A_65] : memref<40x128xi32, #tpu.memory_space<vmem>> -> memref<1x128xi32, #tpu.memory_space<vmem>>
      %dma_wait3A_67 = tpu.memref_squeeze %dma_wait3A_66 : memref<1x128xi32, #tpu.memory_space<vmem>> -> memref<128xi32, #tpu.memory_space<vmem>>
      %dma_wait3A_68 = arith.constant 0 : i32
      %dma_wait3A_69 = arith.constant 0 : i32
      %dma_wait3A_70 = tpu.memref_slice %arg10[%dma_wait3A_68, %dma_wait3A_69] : memref<10240x128xf32, #tpu.memory_space<vmem_shared>> -> memref<10240x128xf32, #tpu.memory_space<vmem_shared>>
      tpu.wait_indirect_dma semaphore(%arg13 : memref<!tpu.dma_semaphore, #tpu.memory_space<semaphore_mem>>) src(%arg8 : memref<128x128xf32, #tpu.memory_space<vmem>>) dst(%dma_wait3A_70 : memref<10240x128xf32, #tpu.memory_space<vmem_shared>>)
      %dma_wait3A_71 = arith.constant 0 : i32
      %dma_wait3A_72 = tpu.memref_slice %arg7[%add3A_58, %dma_wait3A_71] : memref<40x128xi32, #tpu.memory_space<vmem>> -> memref<1x128xi32, #tpu.memory_space<vmem>>
      %dma_wait3A_73 = tpu.memref_squeeze %dma_wait3A_72 : memref<1x128xi32, #tpu.memory_space<vmem>> -> memref<128xi32, #tpu.memory_space<vmem>>
      %dma_wait3A_74 = arith.constant 0 : i32
      %dma_wait3A_75 = arith.constant 0 : i32
      %dma_wait3A_76 = tpu.memref_slice %arg10[%dma_wait3A_74, %dma_wait3A_75] : memref<10240x128xf32, #tpu.memory_space<vmem_shared>> -> memref<10240x128xf32, #tpu.memory_space<vmem_shared>>
      tpu.wait_indirect_dma semaphore(%arg14 : memref<!tpu.dma_semaphore, #tpu.memory_space<semaphore_mem>>) src(%arg9 : memref<128x128xf32, #tpu.memory_space<vmem>>) dst(%dma_wait3A_76 : memref<10240x128xf32, #tpu.memory_space<vmem_shared>>)
    }
    %scan3A_12 = arith.constant 20 : i32
    %barrier3A_13 = arith.constant 0 : index
    tpu.barrier barrier_id(%barrier3A_13)
    %mul3A_14 = arith.constant 640 : i32
    %mul3A_15 = arith.muli %arg1, %mul3A_14 : i32
    %mul3A_16 = arith.constant 640 : i32
    %mul3A_17 = arith.muli %arg1, %mul3A_16 : i32
    "tpu.region"() ({
      %run_scoped3A = tpu.sem_alloc : memref<!tpu.dma_semaphore, #tpu.memory_space<semaphore_mem>>
      %dma_start3A = arith.constant 0 : i32
      %dma_start3A_18 = tpu.memref_slice %arg5[%arg0, %mul3A_17, %dma_start3A] : memref<2x10240x128xf32, #tpu.memory_space<hbm>> -> memref<1x640x128xf32, #tpu.memory_space<hbm>>
      %dma_start3A_19 = tpu.memref_squeeze %dma_start3A_18 : memref<1x640x128xf32, #tpu.memory_space<hbm>> -> memref<640x128xf32, #tpu.memory_space<hbm>>
      %dma_start3A_20 = arith.constant 0 : i32
      %dma_start3A_21 = tpu.memref_slice %arg10[%mul3A_15, %dma_start3A_20] : memref<10240x128xf32, #tpu.memory_space<vmem_shared>> -> memref<640x128xf32, #tpu.memory_space<vmem_shared>>
      tpu.enqueue_dma source(%dma_start3A_21 : memref<640x128xf32, #tpu.memory_space<vmem_shared>>) target(%dma_start3A_19 : memref<640x128xf32, #tpu.memory_space<hbm>>) target_semaphore(%run_scoped3A : memref<!tpu.dma_semaphore, #tpu.memory_space<semaphore_mem>>)
      %dma_wait3A = arith.constant 0 : i32
      %dma_wait3A_22 = tpu.memref_slice %arg5[%arg0, %mul3A_17, %dma_wait3A] : memref<2x10240x128xf32, #tpu.memory_space<hbm>> -> memref<1x640x128xf32, #tpu.memory_space<hbm>>
      %dma_wait3A_23 = tpu.memref_squeeze %dma_wait3A_22 : memref<1x640x128xf32, #tpu.memory_space<hbm>> -> memref<640x128xf32, #tpu.memory_space<hbm>>
      %dma_wait3A_24 = arith.constant 0 : i32
      %dma_wait3A_25 = tpu.memref_slice %arg10[%mul3A_15, %dma_wait3A_24] : memref<10240x128xf32, #tpu.memory_space<vmem_shared>> -> memref<640x128xf32, #tpu.memory_space<vmem_shared>>
      tpu.wait_dma2 semaphore(%run_scoped3A : memref<!tpu.dma_semaphore, #tpu.memory_space<semaphore_mem>>) src(%dma_wait3A_25 : memref<640x128xf32, #tpu.memory_space<vmem_shared>>) dst(%dma_wait3A_23 : memref<640x128xf32, #tpu.memory_space<hbm>>)
      tpu.yield
    }) : () -> ()
    return
  }
}

module attributes {stable_mosaic.version = 14 : i64} {
  func.func @_mm1_kernel(%arg0: i32, %arg1: memref<1024x128xf32, #tpu.memory_space<vmem>>, %arg2: memref<128x128xf32, #tpu.memory_space<vmem>>, %arg3: memref<2x1024x16xf32, #tpu.memory_space<vmem>>, %arg4: memref<1024x128xf32, #tpu.memory_space<vmem>>) attributes {dimension_semantics = [#tpu.dimension_semantics<arbitrary>], iteration_bounds = array<i64: 10>, scalar_prefetch = 0 : i64, scratch_operands = 0 : i64, tpu.core_type = #tpu.core_type<tc>, window_params = [{transform_indices = @transform_0, window_bounds = array<i64: 1024, 128>}, {pipeline_mode = #tpu.pipeline_mode<synchronous>, transform_indices = @transform_1, window_bounds = array<i64: 128, 128>}, {transform_indices = @transform_2, window_bounds = array<i64: 2, 1024, 16>}, {transform_indices = @transform_3, window_bounds = array<i64: 1024, 128>}]} {
    %get3A = arith.constant 0 : index
    %get3A_0 = arith.constant 0 : index
    %get3A_1 = arith.constant 0 : index
    %get3A_2 = vector.load %arg3[%get3A, %get3A_0, %get3A_1] : memref<2x1024x16xf32, #tpu.memory_space<vmem>>, vector<1x1024x1xf32>
    %get3A_3 = vector.shape_cast %get3A_2 : vector<1x1024x1xf32> to vector<1024xf32>
    %get3A_4 = arith.constant 1 : index
    %get3A_5 = arith.constant 0 : index
    %get3A_6 = arith.constant 0 : index
    %get3A_7 = vector.load %arg3[%get3A_4, %get3A_5, %get3A_6] : memref<2x1024x16xf32, #tpu.memory_space<vmem>>, vector<1x1024x1xf32>
    %get3A_8 = vector.shape_cast %get3A_7 : vector<1x1024x1xf32> to vector<1024xf32>
    %add3A = arith.addf %get3A_3, %get3A_8 : vector<1024xf32>
    %add3A_9 = arith.constant 1.000000e+00 : f32
    %add3A_10 = vector.broadcast %add3A_9 : f32 to vector<1024xf32>
    %add3A_11 = arith.addf %add3A, %add3A_10 : vector<1024xf32>
    %rsqrt3A = math.rsqrt %add3A_11 : vector<1024xf32>
    %get3A_12 = arith.constant 0 : index
    %get3A_13 = arith.constant 0 : index
    %get3A_14 = vector.load %arg1[%get3A_12, %get3A_13] : memref<1024x128xf32, #tpu.memory_space<vmem>>, vector<1024x128xf32>
    %get3A_15 = arith.constant 0 : index
    %get3A_16 = arith.constant 0 : index
    %get3A_17 = vector.load %arg2[%get3A_15, %get3A_16] : memref<128x128xf32, #tpu.memory_space<vmem>>, vector<128x128xf32>
    %dot_general3A = arith.constant dense<0.000000e+00> : vector<1024x128xf32>
    %dot_general3A_18 = tpu.matmul %get3A_14, %get3A_17, %dot_general3A {dimension_numbers = #tpu.dot_dimension_numbers<[1], [0], [0], [1], [0, 0, 1, 1], [], []>, precision = #tpu.contract_precision<fp32>, transpose_lhs_hint = false} : vector<1024x128xf32>, vector<128x128xf32>, vector<1024x128xf32> -> vector<1024x128xf32>
    %broadcast_in_dim3A = vector.shape_cast %rsqrt3A : vector<1024xf32> to vector<1024x1xf32>
    %mul3A = vector.broadcast %broadcast_in_dim3A : vector<1024x1xf32> to vector<1024x128xf32>
    %mul3A_19 = arith.mulf %dot_general3A_18, %mul3A : vector<1024x128xf32>
    %swap3A = arith.constant 0 : index
    %swap3A_20 = arith.constant 0 : index
    %swap3A_21 = vector.load %arg4[%swap3A, %swap3A_20] : memref<1024x128xf32, #tpu.memory_space<vmem>>, vector<1024x128xf32>
    tpu.vector_store %arg4[%swap3A, %swap3A_20], %mul3A_19 {strides = array<i32>} : memref<1024x128xf32, #tpu.memory_space<vmem>>, vector<1024x128xf32>,
    return
  }
  func.func @transform_0(%arg0: i32) -> (i32, i32) {
    %c0_i32 = arith.constant 0 : i32
    %c0_i32_0 = arith.constant 0 : i32
    return %arg0, %c0_i32 : i32, i32
  }
  func.func @transform_1(%arg0: i32) -> (i32, i32) {
    %c0_i32 = arith.constant 0 : i32
    %c0_i32_0 = arith.constant 0 : i32
    %c0_i32_1 = arith.constant 0 : i32
    return %c0_i32, %c0_i32_0 : i32, i32
  }
  func.func @transform_2(%arg0: i32) -> (i32, i32, i32) {
    %c0_i32 = arith.constant 0 : i32
    %c0_i32_0 = arith.constant 0 : i32
    %c0_i32_1 = arith.constant 0 : i32
    return %c0_i32, %arg0, %c0_i32_0 : i32, i32, i32
  }
  func.func @transform_3(%arg0: i32) -> (i32, i32) {
    %c0_i32 = arith.constant 0 : i32
    %c0_i32_0 = arith.constant 0 : i32
    return %arg0, %c0_i32 : i32, i32
  }
}

module attributes {stable_mosaic.version = 14 : i64} {
  func.func @_k2_kernel(%arg0: i32, %arg1: memref<2x1024x128xf32, #tpu.memory_space<vmem>>, %arg2: memref<1024x128xf32, #tpu.memory_space<vmem>>, %arg3: memref<2x1024x16xf32, #tpu.memory_space<vmem>>, %arg4: memref<128x128xf32, #tpu.memory_space<vmem>>, %arg5: memref<1x128xf32, #tpu.memory_space<vmem>>, %arg6: memref<1024x128xf32, #tpu.memory_space<vmem>>) attributes {dimension_semantics = [#tpu.dimension_semantics<arbitrary>], iteration_bounds = array<i64: 10>, scalar_prefetch = 0 : i64, scratch_operands = 0 : i64, tpu.core_type = #tpu.core_type<tc>, window_params = [{transform_indices = @transform_0, window_bounds = array<i64: 2, 1024, 128>}, {transform_indices = @transform_1, window_bounds = array<i64: 1024, 128>}, {transform_indices = @transform_2, window_bounds = array<i64: 2, 1024, 16>}, {pipeline_mode = #tpu.pipeline_mode<synchronous>, transform_indices = @transform_3, window_bounds = array<i64: 128, 128>}, {pipeline_mode = #tpu.pipeline_mode<synchronous>, transform_indices = @transform_4, window_bounds = array<i64: 1, 128>}, {transform_indices = @transform_5, window_bounds = array<i64: 1024, 128>}]} {
    %get3A = arith.constant 0 : index
    %get3A_0 = arith.constant 0 : index
    %get3A_1 = arith.constant 0 : index
    %get3A_2 = vector.load %arg3[%get3A, %get3A_0, %get3A_1] : memref<2x1024x16xf32, #tpu.memory_space<vmem>>, vector<1x1024x1xf32>
    %get3A_3 = vector.shape_cast %get3A_2 : vector<1x1024x1xf32> to vector<1024xf32>
    %get3A_4 = arith.constant 1 : index
    %get3A_5 = arith.constant 0 : index
    %get3A_6 = arith.constant 0 : index
    %get3A_7 = vector.load %arg3[%get3A_4, %get3A_5, %get3A_6] : memref<2x1024x16xf32, #tpu.memory_space<vmem>>, vector<1x1024x1xf32>
    %get3A_8 = vector.shape_cast %get3A_7 : vector<1x1024x1xf32> to vector<1024xf32>
    %add3A = arith.addf %get3A_3, %get3A_8 : vector<1024xf32>
    %add3A_9 = arith.constant 1.000000e+00 : f32
    %add3A_10 = vector.broadcast %add3A_9 : f32 to vector<1024xf32>
    %add3A_11 = arith.addf %add3A, %add3A_10 : vector<1024xf32>
    %rsqrt3A = math.rsqrt %add3A_11 : vector<1024xf32>
    %get3A_12 = arith.constant 0 : index
    %get3A_13 = arith.constant 0 : index
    %get3A_14 = arith.constant 0 : index
    %get3A_15 = vector.load %arg1[%get3A_12, %get3A_13, %get3A_14] : memref<2x1024x128xf32, #tpu.memory_space<vmem>>, vector<1x1024x128xf32>
    %get3A_16 = vector.shape_cast %get3A_15 : vector<1x1024x128xf32> to vector<1024x128xf32>
    %get3A_17 = arith.constant 1 : index
    %get3A_18 = arith.constant 0 : index
    %get3A_19 = arith.constant 0 : index
    %get3A_20 = vector.load %arg1[%get3A_17, %get3A_18, %get3A_19] : memref<2x1024x128xf32, #tpu.memory_space<vmem>>, vector<1x1024x128xf32>
    %get3A_21 = vector.shape_cast %get3A_20 : vector<1x1024x128xf32> to vector<1024x128xf32>
    %add3A_22 = arith.addf %get3A_16, %get3A_21 : vector<1024x128xf32>
    %get3A_23 = arith.constant 0 : index
    %get3A_24 = arith.constant 0 : index
    %get3A_25 = vector.load %arg2[%get3A_23, %get3A_24] : memref<1024x128xf32, #tpu.memory_space<vmem>>, vector<1024x128xf32>
    %sub3A = arith.subf %add3A_22, %get3A_25 : vector<1024x128xf32>
    %broadcast_in_dim3A = vector.shape_cast %rsqrt3A : vector<1024xf32> to vector<1024x1xf32>
    %mul3A = vector.broadcast %broadcast_in_dim3A : vector<1024x1xf32> to vector<1024x128xf32>
    %mul3A_26 = arith.mulf %sub3A, %mul3A : vector<1024x128xf32>
    %get3A_27 = arith.constant 0 : index
    %get3A_28 = arith.constant 0 : index
    %get3A_29 = vector.load %arg5[%get3A_27, %get3A_28] : memref<1x128xf32, #tpu.memory_space<vmem>>, vector<1x128xf32>
    %add3A_30 = vector.broadcast %get3A_29 : vector<1x128xf32> to vector<1024x128xf32>
    %add3A_31 = arith.addf %mul3A_26, %add3A_30 : vector<1024x128xf32>
    %max3A = arith.constant 0.000000e+00 : f32
    %max3A_32 = vector.broadcast %max3A : f32 to vector<1024x128xf32>
    %max3A_33 = arith.maximumf %add3A_31, %max3A_32 : vector<1024x128xf32>
    %get3A_34 = arith.constant 0 : index
    %get3A_35 = arith.constant 0 : index
    %get3A_36 = vector.load %arg4[%get3A_34, %get3A_35] : memref<128x128xf32, #tpu.memory_space<vmem>>, vector<128x128xf32>
    %dot_general3A = arith.constant dense<0.000000e+00> : vector<1024x128xf32>
    %dot_general3A_37 = tpu.matmul %max3A_33, %get3A_36, %dot_general3A {dimension_numbers = #tpu.dot_dimension_numbers<[1], [0], [0], [1], [0, 0, 1, 1], [], []>, precision = #tpu.contract_precision<fp32>, transpose_lhs_hint = false} : vector<1024x128xf32>, vector<128x128xf32>, vector<1024x128xf32> -> vector<1024x128xf32>
    %broadcast_in_dim3A_38 = vector.shape_cast %rsqrt3A : vector<1024xf32> to vector<1024x1xf32>
    %mul3A_39 = vector.broadcast %broadcast_in_dim3A_38 : vector<1024x1xf32> to vector<1024x128xf32>
    %mul3A_40 = arith.mulf %dot_general3A_37, %mul3A_39 : vector<1024x128xf32>
    %swap3A = arith.constant 0 : index
    %swap3A_41 = arith.constant 0 : index
    %swap3A_42 = vector.load %arg6[%swap3A, %swap3A_41] : memref<1024x128xf32, #tpu.memory_space<vmem>>, vector<1024x128xf32>
    tpu.vector_store %arg6[%swap3A, %swap3A_41], %mul3A_40 {strides = array<i32>} : memref<1024x128xf32, #tpu.memory_space<vmem>>, vector<1024x128xf32>,
    return
  }
  func.func @transform_0(%arg0: i32) -> (i32, i32, i32) {
    %c0_i32 = arith.constant 0 : i32
    %c0_i32_0 = arith.constant 0 : i32
    %c0_i32_1 = arith.constant 0 : i32
    return %c0_i32, %arg0, %c0_i32_0 : i32, i32, i32
  }
  func.func @transform_1(%arg0: i32) -> (i32, i32) {
    %c0_i32 = arith.constant 0 : i32
    %c0_i32_0 = arith.constant 0 : i32
    return %arg0, %c0_i32 : i32, i32
  }
  func.func @transform_2(%arg0: i32) -> (i32, i32, i32) {
    %c0_i32 = arith.constant 0 : i32
    %c0_i32_0 = arith.constant 0 : i32
    %c0_i32_1 = arith.constant 0 : i32
    return %c0_i32, %arg0, %c0_i32_0 : i32, i32, i32
  }
  func.func @transform_3(%arg0: i32) -> (i32, i32) {
    %c0_i32 = arith.constant 0 : i32
    %c0_i32_0 = arith.constant 0 : i32
    %c0_i32_1 = arith.constant 0 : i32
    return %c0_i32, %c0_i32_0 : i32, i32
  }
  func.func @transform_4(%arg0: i32) -> (i32, i32) {
    %c0_i32 = arith.constant 0 : i32
    %c0_i32_0 = arith.constant 0 : i32
    %c0_i32_1 = arith.constant 0 : i32
    return %c0_i32, %c0_i32_0 : i32, i32
  }
  func.func @transform_5(%arg0: i32) -> (i32, i32) {
    %c0_i32 = arith.constant 0 : i32
    %c0_i32_0 = arith.constant 0 : i32
    return %arg0, %c0_i32 : i32, i32
  }
}

module attributes {stable_mosaic.version = 14 : i64} {
  func.func @_zk_kernel(%arg0: i32, %arg1: memref<2x1024x128xf32, #tpu.memory_space<vmem>>, %arg2: memref<1024x128xf32, #tpu.memory_space<vmem>>, %arg3: memref<2x1024x16xf32, #tpu.memory_space<vmem>>, %arg4: memref<1x32xf32, #tpu.memory_space<vmem>>, %arg5: memref<1024x32xf32, #tpu.memory_space<vmem>>) attributes {dimension_semantics = [#tpu.dimension_semantics<arbitrary>], iteration_bounds = array<i64: 10>, scalar_prefetch = 0 : i64, scratch_operands = 0 : i64, tpu.core_type = #tpu.core_type<tc>, window_params = [{transform_indices = @transform_0, window_bounds = array<i64: 2, 1024, 128>}, {transform_indices = @transform_1, window_bounds = array<i64: 1024, 128>}, {transform_indices = @transform_2, window_bounds = array<i64: 2, 1024, 16>}, {pipeline_mode = #tpu.pipeline_mode<synchronous>, transform_indices = @transform_3, window_bounds = array<i64: 1, 32>}, {transform_indices = @transform_4, window_bounds = array<i64: 1024, 32>}]} {
    %get3A = arith.constant 0 : index
    %get3A_0 = arith.constant 0 : index
    %get3A_1 = arith.constant 0 : index
    %get3A_2 = vector.load %arg3[%get3A, %get3A_0, %get3A_1] : memref<2x1024x16xf32, #tpu.memory_space<vmem>>, vector<1x1024x1xf32>
    %get3A_3 = vector.shape_cast %get3A_2 : vector<1x1024x1xf32> to vector<1024xf32>
    %get3A_4 = arith.constant 1 : index
    %get3A_5 = arith.constant 0 : index
    %get3A_6 = arith.constant 0 : index
    %get3A_7 = vector.load %arg3[%get3A_4, %get3A_5, %get3A_6] : memref<2x1024x16xf32, #tpu.memory_space<vmem>>, vector<1x1024x1xf32>
    %get3A_8 = vector.shape_cast %get3A_7 : vector<1x1024x1xf32> to vector<1024xf32>
    %add3A = arith.addf %get3A_3, %get3A_8 : vector<1024xf32>
    %add3A_9 = arith.constant 1.000000e+00 : f32
    %add3A_10 = vector.broadcast %add3A_9 : f32 to vector<1024xf32>
    %add3A_11 = arith.addf %add3A, %add3A_10 : vector<1024xf32>
    %rsqrt3A = math.rsqrt %add3A_11 : vector<1024xf32>
    %get3A_12 = arith.constant 0 : index
    %get3A_13 = arith.constant 0 : index
    %get3A_14 = arith.constant 0 : index
    %get3A_15 = vector.load %arg1[%get3A_12, %get3A_13, %get3A_14] : memref<2x1024x128xf32, #tpu.memory_space<vmem>>, vector<1x1024x32xf32>
    %get3A_16 = vector.shape_cast %get3A_15 : vector<1x1024x32xf32> to vector<1024x32xf32>
    %get3A_17 = arith.constant 1 : index
    %get3A_18 = arith.constant 0 : index
    %get3A_19 = arith.constant 0 : index
    %get3A_20 = vector.load %arg1[%get3A_17, %get3A_18, %get3A_19] : memref<2x1024x128xf32, #tpu.memory_space<vmem>>, vector<1x1024x32xf32>
    %get3A_21 = vector.shape_cast %get3A_20 : vector<1x1024x32xf32> to vector<1024x32xf32>
    %add3A_22 = arith.addf %get3A_16, %get3A_21 : vector<1024x32xf32>
    %get3A_23 = arith.constant 0 : index
    %get3A_24 = arith.constant 0 : index
    %get3A_25 = vector.load %arg2[%get3A_23, %get3A_24] : memref<1024x128xf32, #tpu.memory_space<vmem>>, vector<1024x32xf32>
    %sub3A = arith.subf %add3A_22, %get3A_25 : vector<1024x32xf32>
    %broadcast_in_dim3A = vector.shape_cast %rsqrt3A : vector<1024xf32> to vector<1024x1xf32>
    %mul3A = vector.broadcast %broadcast_in_dim3A : vector<1024x1xf32> to vector<1024x32xf32>
    %mul3A_26 = arith.mulf %sub3A, %mul3A : vector<1024x32xf32>
    %get3A_27 = arith.constant 0 : index
    %get3A_28 = arith.constant 0 : index
    %get3A_29 = vector.load %arg4[%get3A_27, %get3A_28] : memref<1x32xf32, #tpu.memory_space<vmem>>, vector<1x32xf32>
    %add3A_30 = vector.broadcast %get3A_29 : vector<1x32xf32> to vector<1024x32xf32>
    %add3A_31 = arith.addf %mul3A_26, %add3A_30 : vector<1024x32xf32>
    %swap3A = arith.constant 0 : index
    %swap3A_32 = arith.constant 0 : index
    %swap3A_33 = vector.load %arg5[%swap3A, %swap3A_32] : memref<1024x32xf32, #tpu.memory_space<vmem>>, vector<1024x32xf32>
    tpu.vector_store %arg5[%swap3A, %swap3A_32], %add3A_31 {strides = array<i32>} : memref<1024x32xf32, #tpu.memory_space<vmem>>, vector<1024x32xf32>,
    return
  }
  func.func @transform_0(%arg0: i32) -> (i32, i32, i32) {
    %c0_i32 = arith.constant 0 : i32
    %c0_i32_0 = arith.constant 0 : i32
    %c0_i32_1 = arith.constant 0 : i32
    return %c0_i32, %arg0, %c0_i32_0 : i32, i32, i32
  }
  func.func @transform_1(%arg0: i32) -> (i32, i32) {
    %c0_i32 = arith.constant 0 : i32
    %c0_i32_0 = arith.constant 0 : i32
    return %arg0, %c0_i32 : i32, i32
  }
  func.func @transform_2(%arg0: i32) -> (i32, i32, i32) {
    %c0_i32 = arith.constant 0 : i32
    %c0_i32_0 = arith.constant 0 : i32
    %c0_i32_1 = arith.constant 0 : i32
    return %c0_i32, %arg0, %c0_i32_0 : i32, i32, i32
  }
  func.func @transform_3(%arg0: i32) -> (i32, i32) {
    %c0_i32 = arith.constant 0 : i32
    %c0_i32_0 = arith.constant 0 : i32
    %c0_i32_1 = arith.constant 0 : i32
    return %c0_i32, %c0_i32_0 : i32, i32
  }
  func.func @transform_4(%arg0: i32) -> (i32, i32) {
    %c0_i32 = arith.constant 0 : i32
    %c0_i32_0 = arith.constant 0 : i32
    return %arg0, %c0_i32 : i32, i32
  }
}

module attributes {stable_mosaic.version = 14 : i64} {
  func.func @_decode_kernel(%arg0: i32, %arg1: i32, %arg2: memref<256x32xf32, #tpu.memory_space<vmem>>, %arg3: memref<5120x32xf32, #tpu.memory_space<vmem>>, %arg4: memref<256x5120xf32, #tpu.memory_space<vmem>>) attributes {dimension_semantics = [#tpu.dimension_semantics<arbitrary>, #tpu.dimension_semantics<arbitrary>], iteration_bounds = array<i64: 40, 2>, scalar_prefetch = 0 : i64, scratch_operands = 0 : i64, tpu.core_type = #tpu.core_type<tc>, window_params = [{transform_indices = @transform_0, window_bounds = array<i64: 256, 32>}, {transform_indices = @transform_1, window_bounds = array<i64: 5120, 32>}, {transform_indices = @transform_2, window_bounds = array<i64: 256, 5120>}]} {
    %get3A = arith.constant 0 : index
    %get3A_0 = arith.constant 0 : index
    %get3A_1 = vector.load %arg2[%get3A, %get3A_0] : memref<256x32xf32, #tpu.memory_space<vmem>>, vector<256x32xf32>
    %get3A_2 = arith.constant 0 : index
    %get3A_3 = arith.constant 0 : index
    %get3A_4 = vector.load %arg3[%get3A_2, %get3A_3] : memref<5120x32xf32, #tpu.memory_space<vmem>>, vector<5120x32xf32>
    %dot_general3A = arith.constant dense<0.000000e+00> : vector<256x5120xf32>
    %dot_general3A_5 = tpu.matmul %get3A_1, %get3A_4, %dot_general3A {dimension_numbers = #tpu.dot_dimension_numbers<[1], [1], [0], [0], [0, 0, 1, 0], [], []>, precision = #tpu.contract_precision<fp32>, transpose_lhs_hint = false} : vector<256x32xf32>, vector<5120x32xf32>, vector<256x5120xf32> -> vector<256x5120xf32>
    %mul3A = arith.constant 5.000000e-01 : f32
    %mul3A_6 = vector.broadcast %mul3A : f32 to vector<256x5120xf32>
    %mul3A_7 = arith.mulf %mul3A_6, %dot_general3A_5 : vector<256x5120xf32>
    %tanh3A = math.tanh %mul3A_7 : vector<256x5120xf32>
    %mul3A_8 = arith.constant 5.000000e-01 : f32
    %mul3A_9 = vector.broadcast %mul3A_8 : f32 to vector<256x5120xf32>
    %mul3A_10 = arith.mulf %mul3A_9, %tanh3A : vector<256x5120xf32>
    %add3A = arith.constant 5.000000e-01 : f32
    %add3A_11 = vector.broadcast %add3A : f32 to vector<256x5120xf32>
    %add3A_12 = arith.addf %mul3A_10, %add3A_11 : vector<256x5120xf32>
    %swap3A = arith.constant 0 : index
    %swap3A_13 = arith.constant 0 : index
    %swap3A_14 = vector.load %arg4[%swap3A, %swap3A_13] : memref<256x5120xf32, #tpu.memory_space<vmem>>, vector<256x5120xf32>
    tpu.vector_store %arg4[%swap3A, %swap3A_13], %add3A_12 {strides = array<i32>} : memref<256x5120xf32, #tpu.memory_space<vmem>>, vector<256x5120xf32>,
    return
  }
  func.func @transform_0(%arg0: i32, %arg1: i32) -> (i32, i32) {
    %c0_i32 = arith.constant 0 : i32
    %c0_i32_0 = arith.constant 0 : i32
    return %arg0, %c0_i32 : i32, i32
  }
  func.func @transform_1(%arg0: i32, %arg1: i32) -> (i32, i32) {
    %c0_i32 = arith.constant 0 : i32
    %c0_i32_0 = arith.constant 0 : i32
    return %arg1, %c0_i32 : i32, i32
  }
  func.func @transform_2(%arg0: i32, %arg1: i32) -> (i32, i32) {
    %c0_i32 = arith.constant 0 : i32
    return %arg0, %arg1 : i32, i32
  }
}

</mosaic_0001>

<sc_bundles>
// kernel: kernel.12.cloned.1.call-start
scs
__scs_entry_jumppad:
0x0: {  	(pc) =	sbr.rel $0x88, $3  }
0x1: {  	(tag) =	ssettag $0x0;
	lr =	simm.s32 $0x1  }
0x2: {  	[smem:$0x3F9B] =	sst lr;
	_ =	strace $0xD0000000  }
0x3: {  	_ = 	snop  }
0x4: {  	_ = 	snop  }
0x5: {  	_ = 	snop  }
0x6: {  	_ = 	snop  }
0x7: {  	_ = 	snop  }
__scs_overlays_trampoline_lowered:
0x8: {  	[smem:$0x3FAA] =	sst s0  }
0x9: {  	[smem:$0x3FAB] =	sst s1  }
0xa: {  	[smem:$0x3FAC] =	sst s2  }
0xb: {  	[smem:$0x3FAD] =	sst s3  }
0xc: {  	[smem:$0x3FAE] =	sst s4  }
0xd: {  	[smem:$0x3FAF] =	sst s5  }
0xe: {  	[smem:$0x3FB0] =	sst s6  }
0xf: {  	[smem:$0x3FB1] =	sst s7  }
0x10: {  	[smem:$0x3FB2] =	sst s8  }
0x11: {  	[smem:$0x3FB3] =	sst s9;
	s0 =	simm.s32 @!p0 $0x0  }
0x12: {  	s1 =	sld [smem:$0x3F99];
	s0 =	simm.s32 @p0 $0x1  }
0x13: {  	[smem:$0x3FB4] =	sst s0;
	s0 =	simm.s32 @!p1 $0x0  }
0x14: {  	s2 =	sld [smem:$0x3F98];
	s0 =	simm.s32 @p1 $0x1  }
0x15: {  	[smem:$0x3FB5] =	sst s0;
	s0 =	simm.s32 @!p2 $0x0  }
0x16: {  	s3 =	sld [smem:$0x3FDB];
	s0 =	simm.s32 @p2 $0x1  }
0x17: {  	s4 =	simm.s32 $0x1BF5;
	[smem:$0x3FB7] =	sst s0  }
0x18: {  	s0 =	sld [smem:$0x3F9A];
	_ =	swait.ge [sflag:s4], $0x0  }
0x19: {  	s7 =	sld [smem:$0x3F9B]  }
0x1a: {  	s8 =	sadd.s32 $0xFFFFE003, lr  }
0x1b: {  	s9 =	sadd.s32 $0xFFFFFEF7, lr;
	s5 =	simm.s32 $0xFFFFFFFF;
	p2 =	slt.u32 s8, $0xFFFFF086  }
0x1c: {  	p1 =	slt.u32 s9, $0xF7A;
	s5 =	simm.s32 @!p2 $0x0  }
0x1d: {  	s5 =	simm.s32 @p1 $0x1;
	p0 =	seq.s32 s7, s2  }
0x1e: {  	s7 =	smul.u32 @!p0 $0xF7A, s2;
	p2 =	seq.s32 @!p0 s5, $0x0  }
0x1f: {  	s9 =	smul.u32 $0xF7A, s1;
	s8 =	simm.s32 @!p0 $0x1BF5;
	p2 =	por !p2, p0  }
0x20: {  	[sflag:s8] =	ssyncset.s32 @!p0 $0xFFFFF086;
	s6 =	sadd.s32 @!p0 s3, s7;
	s7 =	simm.s32 @!p0 $0x108  }
0x21: {  	s3 =	sadd.s32 s3, s9;
	s6 =	sadd.s32 @!p0 $0x88, s6;
	s7 =	simm.s32 @p2 $0x1082  }
0x22: {  	[simem:s7], [sflag:s8] =	dma.local @!p0 [hbm:s6], $0xF7A  }
0x23: {  	s9 =	sor.u32 $0xD0000000, s2;
	s6 =	simm.s32 $0x108;
	_ =	swait.ge @!p0 [sflag:s8], $0x0  }
0x24: {  	s3 =	sadd.s32 $0x88, s3;
	s6 =	simm.s32 @!p1 $0x1082;
	[sflag:s4] =	ssyncset.s32 $0xFFFFF086  }
0x25: {  	[simem:s6], [sflag:s4] =	dma.local [hbm:s3], $0xF7A  }
0x26: {  	[smem:$0x3F9B] =	sst s1;
	(tag) =	ssettag s2;
	_ =	strace s9  }
0x27: {  	s1 =	sld [smem:$0x3FAB]  }
0x28: {  	s2 =	sld [smem:$0x3FAC]  }
0x29: {  	s4 =	sld [smem:$0x3FAE]  }
0x2a: {  	p0 =	seq.s32 s5, $0x0;
	s5 =	sld [smem:$0x3FAF]  }
0x2b: {  	s6 =	sld [smem:$0x3FB0]  }
0x2c: {  	s7 =	sld [smem:$0x3FB1]  }
0x2d: {  	s3 =	simm.s32 $0x108;
	s8 =	sld [smem:$0x3FB2]  }
0x2e: {  	s3 =	simm.s32 @!p0 $0x1082;
	s9 =	sld [smem:$0x3FB3]  }
0x2f: {  	lr =	sadd.s32 s0, s3;
	s0 =	sld [smem:$0x3FAA]  }
0x30: {  	s3 =	sld [smem:$0x3FAD]  }
0x31: {  	[smem:$0x3FB6] =	sst s10  }
0x32: {  	s10 =	sld [smem:$0x3FB4];
	_ =	sdelay $0x3  }
0x33: {  	p0 =	seq.s32 s10, $0x1;
	s10 =	sld [smem:$0x3FB6];
	_ =	sdelay $0x3  }
0x34: {  	[smem:$0x3FB6] =	sst s10  }
0x35: {  	s10 =	sld [smem:$0x3FB5];
	_ =	sdelay $0x3  }
0x36: {  	p1 =	seq.s32 s10, $0x1;
	s10 =	sld [smem:$0x3FB6];
	_ =	sdelay $0x3  }
0x37: {  	[smem:$0x3FB6] =	sst s10  }
0x38: {  	s10 =	sld [smem:$0x3FB7]  }
0x39: {  	_ = 	snop;
	(pc) =	sbr.ind lr, $3  }
0x3a: {  	_ = 	snop  }
0x3b: {  	_ = 	snop  }
0x3c: {  	p2 =	seq.s32 s10, $0x1;
	s10 =	sld [smem:$0x3FB6]  }
0x3d: {  	_ =	shalt  }
0x3e: {  	_ =	shalt  }
0x3f: {  	_ =	shalt  }
0x40: {  	_ =	shalt  }
0x41: {  	_ =	shalt  }
0x42: {  	_ =	shalt  }
0x43: {  	_ =	shalt  }
0x44: {  	_ =	shalt  }
0x45: {  	_ =	shalt  }
0x46: {  	_ =	shalt  }
0x47: {  	_ =	shalt  }
0x48: {  	_ =	shalt  }
0x49: {  	_ =	shalt  }
0x4a: {  	_ =	shalt  }
0x4b: {  	_ =	shalt  }
0x4c: {  	_ =	shalt  }
0x4d: {  	_ =	shalt  }
0x4e: {  	_ =	shalt  }
0x4f: {  	_ =	shalt  }
0x50: {  	_ =	shalt  }
0x51: {  	_ =	shalt  }
0x52: {  	_ =	shalt  }
0x53: {  	_ =	shalt  }
0x54: {  	_ =	shalt  }
0x55: {  	_ =	shalt  }
0x56: {  	_ =	shalt  }
0x57: {  	_ =	shalt  }
0x58: {  	_ =	shalt  }
0x59: {  	_ =	shalt  }
0x5a: {  	_ =	shalt  }
0x5b: {  	_ =	shalt  }
0x5c: {  	_ =	shalt  }
0x5d: {  	_ =	shalt  }
0x5e: {  	_ =	shalt  }
0x5f: {  	_ =	shalt  }
0x60: {  	_ =	shalt  }
0x61: {  	_ =	shalt  }
0x62: {  	_ =	shalt  }
0x63: {  	_ =	shalt  }
0x64: {  	_ =	shalt  }
0x65: {  	_ =	shalt  }
0x66: {  	_ =	shalt  }
0x67: {  	_ =	shalt  }
0x68: {  	_ =	shalt  }
0x69: {  	_ =	shalt  }
0x6a: {  	_ =	shalt  }
0x6b: {  	_ =	shalt  }
0x6c: {  	_ =	shalt  }
0x6d: {  	_ =	shalt  }
0x6e: {  	_ =	shalt  }
0x6f: {  	_ =	shalt  }
0x70: {  	_ =	shalt  }
0x71: {  	_ =	shalt  }
0x72: {  	_ =	shalt  }
0x73: {  	_ =	shalt  }
0x74: {  	_ =	shalt  }
0x75: {  	_ =	shalt  }
0x76: {  	_ =	shalt  }
0x77: {  	_ =	shalt  }
0x78: {  	_ =	shalt  }
0x79: {  	_ =	shalt  }
0x7a: {  	_ =	shalt  }
0x7b: {  	_ =	shalt  }
0x7c: {  	_ =	shalt  }
0x7d: {  	_ =	shalt  }
0x7e: {  	_ =	shalt  }
0x7f: {  	_ =	shalt  }
0x80: {  	_ =	shalt  }
0x81: {  	_ =	shalt  }
0x82: {  	_ =	shalt  }
0x83: {  	_ =	shalt  }
0x84: {  	_ =	shalt  }
0x85: {  	_ =	shalt  }
0x86: {  	_ =	shalt  }
0x87: {  	_ =	shalt  }
.Lfunc_end0:
.L_simem_size_0:
called_computation.1_lowered:
.L_overlay_start_0:
0x88: {  	s2 =	sld [smem:$0x3FD9]  }
0x89: {  	s3 =	sld [smem:$0x3FFE];
	_ =	sdelay $0x1  }
0x8a: {  	s1 =	srdreg.scid  }
0x8b: {  	s0 =	sand.u32 $0x1, s1  }
0x8c: {  	s17 =	sshll.u32 s0, $0xA;
	s2 =	sadd.s32 s3, s2  }
0x8d: {  	s2 =	sadd.s32 s2, s17  }
0x8e: {  	[smem:$0x3FC2] =	sst s2  }
0x8f: {  	_ = 	snop  }
0x90: {  	s2 =	sld [smem:$0x3FD0];
	(tm) =	ssettm $0x1  }
0x91: {  	s18 =	sld [smem:$0x3FFB];
	_ =	sdelay $0x3  }
0x92: {  	_ =	strace s18  }
0x93: {  	s3 =	sld [smem:$0x3FFC];
	_ =	sdelay $0x3  }
0x94: {  	_ =	strace s3  }
0x95: {  	s3 =	sld [smem:$0x3FFD];
	_ =	sdelay $0x3  }
0x96: {  	_ =	strace s3  }
0x97: {  	_ =	strace $0x8FFFFFFF  }
0x98: {  	s19 =	sld [smem:$0x3FDB];
	_ =	sdelay $0x1  }
0x99: {  	s4 =	simm.s32 $_scs_section_size  }
0x9a: {  	s5 =	simm.s32 $_size__tile_overlayer_lowered;
	s6 =	simm.s32 $_tile_overlayer_lowered  }
0x9b: {  	s22 =	simm.s32 $0x1BFF;
	s21 =	sshll.u32 s6, $0x1;
	s3 =	sadd.s32 s4, s19  }
0x9c: {  	s7 =	simm.s32 $0x0;
	s20 =	sshll.u32 s5, $0x1;
	s5 =	sadd.s32 s21, s3  }
0x9d: {  	[timem:s7], [sflag:s22] =	dma.local [hbm:s5], s20  }
0x9e: {  	_ =	swait.ge [sflag:s22], s20  }
0x9f: {  	s4 =	ssub.s32 $0x0, s20;
	[sflag:s22] =	ssyncset.done $0x0  }
0xa0: {  	[sflag:s22] =	ssyncadd.s32 s4;
	_ =	sdelay $0x1  }
0xa1: {  	s23 =	simm.s32 $0x1B8B  }
0xa2: {  	_ =	swait.ge [sflag:s23], $0x1  }
0xa3: {  	[sflag:s23] =	ssyncset.done $0x0  }
0xa4: {  	s25 =	simm.s32 $0x1B8E;
	s24 =	sld [smem:$0x3FFE];
	[sflag:s23] =	ssyncadd.s32 $0xFFFFFFFF  }
0xa5: {  	s26 =	simm.s32 $execute0_lowered;
	[smem:$0x3FD2] =	sst s25  }
0xa6: {  	s5 =	sshll.u32 s26, $0x1;
	_ =	strace $0x80000049;
	[dreg:$0x1] =	wrdreg $0xFFFFFFFF  }
0xa7: {  	s28 =	simm.s32 $_size_execute0_lowered;
	s3 =	sadd.s32 s3, s5;
	[dreg:$0x0] =	wrdreg $0x0  }
0xa8: {  	s5 =	sshll.u32 s28, $0x1;
	[dreg:$0x2] =	wrdreg s3  }
0xa9: {  	[dreg:$0x3] =	wrdreg s5  }
0xaa: {  	[dreg:$0x4] =	wrdreg $0xC0  }
0xab: {  	_ =	task [dreg:s7], $0x5FFFF  }
0xac: {  	[dreg:$0x1] =	wrdreg $0xFFFFFFFF  }
0xad: {  	[dreg:$0x0] =	wrdreg $0x60  }
0xae: {  	[dreg:$0x2] =	wrdreg s24  }
0xaf: {  	[dreg:$0x3] =	wrdreg s2  }
0xb0: {  	[dreg:$0x4] =	wrdreg $0xA8000  }
0xb1: {  	[dreg:$0x5] =	wrdreg $0x9  }
0xb2: {  	_ =	task.clear_ibuf [dreg:s7], $0x6FFFF;
	_ =	strace $0x90000049  }
0xb3: {  	s29 =	simm.s32 $0x9;
	_ =	strace $0x8000004B  }
0xb4: {  	_ =	swait.ge [sflag:s29], $0x1  }
0xb5: {  	[sflag:s29] =	ssyncadd.s32 $0xFFFFFFFF  }
0xb6: {  	_ =	strace $0x9000004B  }
0xb7: {  	_ =	sfence  }
0xb8: {  	s30 =	sld [smem:$0x0];
	_ =	sdelay $0x2  }
0xb9: {  	s31 =	sshll.u32 s1, $0xD;
	s1 =	sshrl.u32 s1, $0x2  }
0xba: {  	s3 =	sand.u32 $0x4000, s31;
	s1 =	sadd.s32 s1, s30  }
0xbb: {  	s0 =	sor.u32 s3, s0;
	s1 =	sshll.u32 s1, $0x11  }
0xbc: {  	s0 =	sor.u32 s1, s0  }
0xbd: {  	s0 =	sadd.s32 $0x8F2B, s0  }
0xbe: {  	[sflag:s0] =	ssyncadd.remote.s32 $0x1  }
0xbf: {  	_ =	sfence.sel $0xFFFF  }
0xc0: {  	[dreg:$0x0] =	wrdreg $0xFFFFFFFF;
	(pc) =	sbr.abs _section_cstart, $3  }
0xc1: {  	[dreg:$0x1] =	wrdreg $0xFFFFFFFF  }
0xc2: {  	_ =	task.clear_ibuf [dreg:s7], $0x2FFFF;
	_ =	strace $0x9FFFFFFF  }
0xc3: {  	(tm) =	ssettm $0x7FFFFFFF  }
tec
execute0_lowered:
.L_overlay_start_1:
0x0: {  	(tag) =	ssettag $0x1  }
0x1: {  	s5 =	rddreg [dreg:$0x0]  }
0x2: {  	s0 =	srdreg.scid;
	s8 =	rddreg [dreg:$0x1]  }
0x3: {  	s2 =	rddreg [dreg:$0x2];
	s1 =	stileid.u32  }
0x4: {  	s3 =	simm.s32 $0x0;
	s14 =	simm.s32 $0x80;
	s15 =	simm.s32 $0x2800  }
0x5: {  	s16 =	simm.s32 $0x6800;
	s17 =	simm.s32 $0x1;
	s18 =	simm.s32 $0x2  }
0x6: {  	s19 =	simm.s32 $0x3;
	s20 =	simm.s32 $0x4;
	s21 =	simm.s32 $0x0  }
0x7: {  	s6 =	sand.u32 $0x1, s0;
	s0 =	rddreg [dreg:$0x3];
	s9 =	smul.u32 $0x50000, s1  }
0x8: {  	[smem:$0x7FF] =	sst s3;
	s11 =	smul.u32 $0x14000, s1;
	s31 =	sshll.u32 s1, $0x6  }
0x9: {  	s4 =	sshll.u32 s6, $0x4;
	_ =	strace $0x8000004A;
	s10 =	ssub.s32 $0x2, s6  }
0xa: {  	s12 =	smul.u32 $0x140000, s6;
	s4 =	sor.u32 s1, s4;
	s26 =	sshrl.u32 s10, $0x1  }
0xb: {  	s28 =	sshrl.u32 s9, $0x2;
	s29 =	sshrl.u32 s11, $0x3;
	s7 =	smul.u32 $0x280, s4  }
0xc: {  	s4 =	sadd.s32 $0x5C400, s5;
	s10 =	ssub.s32 s10, s26;
	s11 =	sadd.s32 s11, s12  }
0xd: {  	s13 =	sadd.s32 s28, s2;
	s12 =	sor.u32 $0x1C05, s31;
	s30 =	sshrl.u32 s11, $0x3  }
0xe: {  	s9 =	smax.u32 s10, $0x1;
	s10 =	simm.s32 $0x5;
	s11 =	simm.s32 $0x1400  }
0xf: {  	s13 =	sshrl.u32 s13, $0x3;
	s7 =	sadd.s32 s7, s5;
	s8 =	sadd.s32 s8, s30  }
0x10: {  	s5 =	sadd.s32 $0x2400, s7;
	s6 =	sadd.s32 $0x7400, s7;
	s7 =	sadd.s32 s4, s29  }
.LBB2_1:
0x11: {  	[tilespmem:s3], [sflag:$0x5] =	stream.linear.gather [hbm4b:s5+s3], $0x1400, $0x38;
	[tilespmem:$0x1E800] =	vst v63  }
0x12: {  	_ =	swait.ge [sflag:s10], $0x1400  }
0x13: {  	[sflag:s10] =	ssyncset.done $0x0  }
0x14: {  	[sflag:s10] =	ssyncadd.s32 $0xFFFFEC00  }
0x15: {  	[tilespmem:s11], [sflag:$0x5] =	stream.linear.gather [hbm4b:s6+s3], $0x1400, $0x38;
	[tilespmem:$0x1E800] =	vst v63  }
0x16: {  	_ =	swait.ge [sflag:s10], $0x1400  }
0x17: {  	[sflag:s10] =	ssyncset.done $0x0  }
0x18: {  	[sflag:s10] =	ssyncadd.s32 $0xFFFFEC00  }
0x19: {  	[spmem:s13], [sflag:s12] =	dma.local [hbm:s7], $0x2800  }
0x1a: {  	_ =	swait.ge [sflag:s10], $0x2800  }
0x1b: {  	[sflag:s10] =	ssyncset.done $0x0  }
0x1c: {  	[sflag:s10] =	ssyncadd.s32 $0xFFFFD800  }
0x1d: {  	s22 =	simm.s32 $0x0;
	[bflag:$0x0] =	sbarrier.arrive $0xFFFF  }
0x1e: {  	[tilespmem:s15], [sflag:$0x1] =	stream.indirect.gather [hbm4b:s4+s14], $0x80, s22, s14, $0xb8;
	[tilespmem:$0x1E800] =	vst v63  }
0x1f: {  	s29 =	simm.s32 $0x80  }
0x20: {  	[tilespmem:s16], [sflag:$0x2] =	stream.indirect.gather [hbm4b:s4+s14], $0x80, s29, s14, $0xb8;
	[tilespmem:$0x1E800] =	vst v63  }
0x21: {  	_ =	swait.ge [sflag:s17], $0x4000  }
0x22: {  	[sflag:s17] =	ssyncset.done $0x0  }
0x23: {  	s30 =	simm.s32 $0x1400;
	[sflag:s17] =	ssyncadd.s32 $0xFFFFC000  }
0x24: {  	[spmem:s2] =	stream.indirect.scatter.add.f32 [tilespmem:s15], [sflag:$0x3], $0x80, s30, s14, $0xb8;
	[tilespmem:$0x1E800] =	vst v63  }
0x25: {  	_ =	swait.ge [sflag:s18], $0x4000  }
0x26: {  	[sflag:s18] =	ssyncset.done $0x0  }
0x27: {  	s31 =	simm.s32 $0x1480;
	[sflag:s18] =	ssyncadd.s32 $0xFFFFC000  }
0x28: {  	[spmem:s2] =	stream.indirect.scatter.add.f32 [tilespmem:s16], [sflag:$0x4], $0x80, s31, s14, $0xb8;
	[tilespmem:$0x1E800] =	vst v63  }
0x29: {  	_ =	swait.ge [sflag:s19], $0x4000  }
0x2a: {  	[sflag:s19] =	ssyncset.done $0x0  }
0x2b: {  	[sflag:s19] =	ssyncadd.s32 $0xFFFFC000  }
0x2c: {  	_ =	swait.ge [sflag:s20], $0x4000  }
0x2d: {  	s23 =	simm.s32 $0x800;
	s22 =	simm.s32 $0x400;
	[sflag:s20] =	ssyncset.done $0x0  }
.LBB2_2:
0x2e: {  	s24 =	sshra.s32 s22, $0x2  }
0x2f: {  	[sflag:s20] =	ssyncadd.s32 $0xFFFFC000;
	s22 =	smov.u32 s23;
	s25 =	sadd.s32 $0x400, s23  }
0x30: {  	[tilespmem:s15], [sflag:$0x1] =	stream.indirect.gather [hbm4b:s4+s14], $0x80, s24, s14, $0xb8;
	[tilespmem:$0x1E800] =	vst v63  }
0x31: {  	p0 =	sne.s32 s23, $0x4C00;
	s23 =	sadd.s32 $0x80, s24  }
0x32: {  	[tilespmem:s16], [sflag:$0x2] =	stream.indirect.gather [hbm4b:s4+s14], $0x80, s23, s14, $0xb8;
	[tilespmem:$0x1E800] =	vst v63  }
0x33: {  	_ =	swait.ge [sflag:s17], $0x4000  }
0x34: {  	[sflag:s17] =	ssyncset.done $0x0  }
0x35: {  	s23 =	sadd.s32 $0x1400, s24;
	[sflag:s17] =	ssyncadd.s32 $0xFFFFC000  }
0x36: {  	[spmem:s2] =	stream.indirect.scatter.add.f32 [tilespmem:s15], [sflag:$0x3], $0x80, s23, s14, $0xb8;
	[tilespmem:$0x1E800] =	vst v63  }
0x37: {  	_ =	swait.ge [sflag:s18], $0x4000  }
0x38: {  	[sflag:s18] =	ssyncset.done $0x0  }
0x39: {  	s23 =	sadd.s32 $0x1480, s24;
	[sflag:s18] =	ssyncadd.s32 $0xFFFFC000  }
0x3a: {  	[spmem:s2] =	stream.indirect.scatter.add.f32 [tilespmem:s16], [sflag:$0x4], $0x80, s23, s14, $0xb8;
	[tilespmem:$0x1E800] =	vst v63  }
.Ltmp0:
0x3b: {  	_ =	swait.ge [sflag:s19], $0x4000;
	(pc) =	sbr.rel @p0 .LBB2_2-.Ltmp0, $4  }
0x3c: {  	[sflag:s19] =	ssyncset.done $0x0  }
0x3d: {  	[sflag:s19] =	ssyncadd.s32 $0xFFFFC000  }
0x3e: {  	_ =	swait.ge [sflag:s20], $0x4000  }
0x3f: {  	s23 =	smov.u32 s25;
	[sflag:s20] =	ssyncset.done $0x0  }
0x40: {  	s22 =	sshra.s32 s22, $0x2;
	[sflag:s20] =	ssyncadd.s32 $0xFFFFC000  }
0x41: {  	[tilespmem:s15], [sflag:$0x1] =	stream.indirect.gather [hbm4b:s4+s14], $0x80, s22, s14, $0xb8;
	[tilespmem:$0x1E800] =	vst v63  }
0x42: {  	s23 =	sadd.s32 $0x80, s22  }
0x43: {  	[tilespmem:s16], [sflag:$0x2] =	stream.indirect.gather [hbm4b:s4+s14], $0x80, s23, s14, $0xb8;
	[tilespmem:$0x1E800] =	vst v63  }
0x44: {  	_ =	swait.ge [sflag:s17], $0x4000  }
0x45: {  	[sflag:s17] =	ssyncset.done $0x0  }
0x46: {  	s31 =	sadd.s32 $0x1400, s22;
	[sflag:s17] =	ssyncadd.s32 $0xFFFFC000  }
0x47: {  	[spmem:s2] =	stream.indirect.scatter.add.f32 [tilespmem:s15], [sflag:$0x3], $0x80, s31, s14, $0xb8;
	[tilespmem:$0x1E800] =	vst v63  }
0x48: {  	_ =	swait.ge [sflag:s18], $0x4000  }
0x49: {  	[sflag:s18] =	ssyncset.done $0x0  }
0x4a: {  	s22 =	sadd.s32 $0x1480, s22;
	[sflag:s18] =	ssyncadd.s32 $0xFFFFC000  }
0x4b: {  	[spmem:s2] =	stream.indirect.scatter.add.f32 [tilespmem:s16], [sflag:$0x4], $0x80, s22, s14, $0xb8;
	[tilespmem:$0x1E800] =	vst v63  }
0x4c: {  	_ =	swait.ge [sflag:s19], $0x4000  }
0x4d: {  	[sflag:s19] =	ssyncset.done $0x0  }
0x4e: {  	[sflag:s19] =	ssyncadd.s32 $0xFFFFC000  }
0x4f: {  	_ =	swait.ge [sflag:s20], $0x4000  }
0x50: {  	s21 =	sadd.s32 $0x1, s21;
	[sflag:s20] =	ssyncset.done $0x0  }
0x51: {  	p0 =	sne.s32 s21, s9;
	[sflag:s20] =	ssyncadd.s32 $0xFFFFC000  }
.Ltmp1:
0x52: {  	[bflag:$0x0] =	sbarrier.arrive $0xFFFF;
	(pc) =	sbr.rel @p0 .LBB2_1-.Ltmp1, $4  }
0x53: {  	[hbm:s8], [sflag:s12] =	dma.local [spmem:s13], $0x2800  }
0x54: {  	_ =	swait.ge [sflag:s10], $0x2800  }
0x55: {  	[sflag:s10] =	ssyncset.done $0x0  }
0x56: {  	[sflag:s10] =	ssyncadd.s32 $0xFFFFD800  }
0x57: {  	_ =	sfence.sel $0x180000  }
0x58: {  	[bflag:$0x0] =	sbarrier.arrive $0xFFFF  }
0x59: {  	p0 =	sne.s32 s1, $0x0;
	_ =	strace $0x9000004A  }
0x5a: {  	s0 =	sadd.s32 @!p0 $0x100000, s0;
	[bflag:$0x2] =	sbarrier.arrive $0xFFFF  }
0x5b: {  	[sflag:s0] =	ssyncadd.tile.s32 @!p0 $0x1;
	_ =	shalt  }
.Lfunc_end2:
_tile_overlayer_lowered:
.L_overlay_start_2:
0x5c: {  	(tag) =	ssettag $0x2  }
0x5d: {  	s0 =	rddreg [dreg:$0x0];
	s2 =	stileid.u32  }
0x5e: {  	s1 =	rddreg [dreg:$0x1];
	p0 =	sne.s32 s2, $0x0  }
0x5f: {  	s3 =	rddreg [dreg:$0x2];
	[bflag:$0x3] =	sbarrier.arrive $0xFFFF;
	s2 =	simm.s32 @!p0 $0x1C05  }
0x60: {  	[timem:s3], [sflag:s2] =	dma.local @!p0 [hbm:s0], s1  }
0x61: {  	s0 =	simm.s32 @!p0 $0x5  }
0x62: {  	_ =	swait.ge @!p0 [sflag:s0], s1  }
0x63: {  	s1 =	ssub.s32 @!p0 $0x0, s1;
	[sflag:s0] =	ssyncset.done @!p0 $0x0  }
0x64: {  	[sflag:s0] =	ssyncadd.s32 @!p0 s1  }
0x65: {  	[bflag:$0x3] =	sbarrier.arrive $0xFFFF  }
0x66: {  	_ =	shalt  }

// kernel: kernel.15.cloned.1.call-start
scs
__scs_entry_jumppad:
0x0: {  	(pc) =	sbr.rel $0x88, $3  }
0x1: {  	(tag) =	ssettag $0x0;
	lr =	simm.s32 $0x1  }
0x2: {  	[smem:$0x3F9B] =	sst lr;
	_ =	strace $0xD0000000  }
0x3: {  	_ = 	snop  }
0x4: {  	_ = 	snop  }
0x5: {  	_ = 	snop  }
0x6: {  	_ = 	snop  }
0x7: {  	_ = 	snop  }
__scs_overlays_trampoline_lowered:
0x8: {  	[smem:$0x3FAA] =	sst s0  }
0x9: {  	[smem:$0x3FAB] =	sst s1  }
0xa: {  	[smem:$0x3FAC] =	sst s2  }
0xb: {  	[smem:$0x3FAD] =	sst s3  }
0xc: {  	[smem:$0x3FAE] =	sst s4  }
0xd: {  	[smem:$0x3FAF] =	sst s5  }
0xe: {  	[smem:$0x3FB0] =	sst s6  }
0xf: {  	[smem:$0x3FB1] =	sst s7  }
0x10: {  	[smem:$0x3FB2] =	sst s8  }
0x11: {  	[smem:$0x3FB3] =	sst s9;
	s0 =	simm.s32 @!p0 $0x0  }
0x12: {  	s1 =	sld [smem:$0x3F99];
	s0 =	simm.s32 @p0 $0x1  }
0x13: {  	[smem:$0x3FB4] =	sst s0;
	s0 =	simm.s32 @!p1 $0x0  }
0x14: {  	s2 =	sld [smem:$0x3F98];
	s0 =	simm.s32 @p1 $0x1  }
0x15: {  	[smem:$0x3FB5] =	sst s0;
	s0 =	simm.s32 @!p2 $0x0  }
0x16: {  	s3 =	sld [smem:$0x3FDB];
	s0 =	simm.s32 @p2 $0x1  }
0x17: {  	s4 =	simm.s32 $0x1BF5;
	[smem:$0x3FB7] =	sst s0  }
0x18: {  	s0 =	sld [smem:$0x3F9A];
	_ =	swait.ge [sflag:s4], $0x0  }
0x19: {  	s7 =	sld [smem:$0x3F9B]  }
0x1a: {  	s8 =	sadd.s32 $0xFFFFE003, lr  }
0x1b: {  	s9 =	sadd.s32 $0xFFFFFEF7, lr;
	s5 =	simm.s32 $0xFFFFFFFF;
	p2 =	slt.u32 s8, $0xFFFFF086  }
0x1c: {  	p1 =	slt.u32 s9, $0xF7A;
	s5 =	simm.s32 @!p2 $0x0  }
0x1d: {  	s5 =	simm.s32 @p1 $0x1;
	p0 =	seq.s32 s7, s2  }
0x1e: {  	s7 =	smul.u32 @!p0 $0xF7A, s2;
	p2 =	seq.s32 @!p0 s5, $0x0  }
0x1f: {  	s9 =	smul.u32 $0xF7A, s1;
	s8 =	simm.s32 @!p0 $0x1BF5;
	p2 =	por !p2, p0  }
0x20: {  	[sflag:s8] =	ssyncset.s32 @!p0 $0xFFFFF086;
	s6 =	sadd.s32 @!p0 s3, s7;
	s7 =	simm.s32 @!p0 $0x108  }
0x21: {  	s3 =	sadd.s32 s3, s9;
	s6 =	sadd.s32 @!p0 $0x88, s6;
	s7 =	simm.s32 @p2 $0x1082  }
0x22: {  	[simem:s7], [sflag:s8] =	dma.local @!p0 [hbm:s6], $0xF7A  }
0x23: {  	s9 =	sor.u32 $0xD0000000, s2;
	s6 =	simm.s32 $0x108;
	_ =	swait.ge @!p0 [sflag:s8], $0x0  }
0x24: {  	s3 =	sadd.s32 $0x88, s3;
	s6 =	simm.s32 @!p1 $0x1082;
	[sflag:s4] =	ssyncset.s32 $0xFFFFF086  }
0x25: {  	[simem:s6], [sflag:s4] =	dma.local [hbm:s3], $0xF7A  }
0x26: {  	[smem:$0x3F9B] =	sst s1;
	(tag) =	ssettag s2;
	_ =	strace s9  }
0x27: {  	s1 =	sld [smem:$0x3FAB]  }
0x28: {  	s2 =	sld [smem:$0x3FAC]  }
0x29: {  	s4 =	sld [smem:$0x3FAE]  }
0x2a: {  	p0 =	seq.s32 s5, $0x0;
	s5 =	sld [smem:$0x3FAF]  }
0x2b: {  	s6 =	sld [smem:$0x3FB0]  }
0x2c: {  	s7 =	sld [smem:$0x3FB1]  }
0x2d: {  	s3 =	simm.s32 $0x108;
	s8 =	sld [smem:$0x3FB2]  }
0x2e: {  	s3 =	simm.s32 @!p0 $0x1082;
	s9 =	sld [smem:$0x3FB3]  }
0x2f: {  	lr =	sadd.s32 s0, s3;
	s0 =	sld [smem:$0x3FAA]  }
0x30: {  	s3 =	sld [smem:$0x3FAD]  }
0x31: {  	[smem:$0x3FB6] =	sst s10  }
0x32: {  	s10 =	sld [smem:$0x3FB4];
	_ =	sdelay $0x3  }
0x33: {  	p0 =	seq.s32 s10, $0x1;
	s10 =	sld [smem:$0x3FB6];
	_ =	sdelay $0x3  }
0x34: {  	[smem:$0x3FB6] =	sst s10  }
0x35: {  	s10 =	sld [smem:$0x3FB5];
	_ =	sdelay $0x3  }
0x36: {  	p1 =	seq.s32 s10, $0x1;
	s10 =	sld [smem:$0x3FB6];
	_ =	sdelay $0x3  }
0x37: {  	[smem:$0x3FB6] =	sst s10  }
0x38: {  	s10 =	sld [smem:$0x3FB7]  }
0x39: {  	_ = 	snop;
	(pc) =	sbr.ind lr, $3  }
0x3a: {  	_ = 	snop  }
0x3b: {  	_ = 	snop  }
0x3c: {  	p2 =	seq.s32 s10, $0x1;
	s10 =	sld [smem:$0x3FB6]  }
0x3d: {  	_ =	shalt  }
0x3e: {  	_ =	shalt  }
0x3f: {  	_ =	shalt  }
0x40: {  	_ =	shalt  }
0x41: {  	_ =	shalt  }
0x42: {  	_ =	shalt  }
0x43: {  	_ =	shalt  }
0x44: {  	_ =	shalt  }
0x45: {  	_ =	shalt  }
0x46: {  	_ =	shalt  }
0x47: {  	_ =	shalt  }
0x48: {  	_ =	shalt  }
0x49: {  	_ =	shalt  }
0x4a: {  	_ =	shalt  }
0x4b: {  	_ =	shalt  }
0x4c: {  	_ =	shalt  }
0x4d: {  	_ =	shalt  }
0x4e: {  	_ =	shalt  }
0x4f: {  	_ =	shalt  }
0x50: {  	_ =	shalt  }
0x51: {  	_ =	shalt  }
0x52: {  	_ =	shalt  }
0x53: {  	_ =	shalt  }
0x54: {  	_ =	shalt  }
0x55: {  	_ =	shalt  }
0x56: {  	_ =	shalt  }
0x57: {  	_ =	shalt  }
0x58: {  	_ =	shalt  }
0x59: {  	_ =	shalt  }
0x5a: {  	_ =	shalt  }
0x5b: {  	_ =	shalt  }
0x5c: {  	_ =	shalt  }
0x5d: {  	_ =	shalt  }
0x5e: {  	_ =	shalt  }
0x5f: {  	_ =	shalt  }
0x60: {  	_ =	shalt  }
0x61: {  	_ =	shalt  }
0x62: {  	_ =	shalt  }
0x63: {  	_ =	shalt  }
0x64: {  	_ =	shalt  }
0x65: {  	_ =	shalt  }
0x66: {  	_ =	shalt  }
0x67: {  	_ =	shalt  }
0x68: {  	_ =	shalt  }
0x69: {  	_ =	shalt  }
0x6a: {  	_ =	shalt  }
0x6b: {  	_ =	shalt  }
0x6c: {  	_ =	shalt  }
0x6d: {  	_ =	shalt  }
0x6e: {  	_ =	shalt  }
0x6f: {  	_ =	shalt  }
0x70: {  	_ =	shalt  }
0x71: {  	_ =	shalt  }
0x72: {  	_ =	shalt  }
0x73: {  	_ =	shalt  }
0x74: {  	_ =	shalt  }
0x75: {  	_ =	shalt  }
0x76: {  	_ =	shalt  }
0x77: {  	_ =	shalt  }
0x78: {  	_ =	shalt  }
0x79: {  	_ =	shalt  }
0x7a: {  	_ =	shalt  }
0x7b: {  	_ =	shalt  }
0x7c: {  	_ =	shalt  }
0x7d: {  	_ =	shalt  }
0x7e: {  	_ =	shalt  }
0x7f: {  	_ =	shalt  }
0x80: {  	_ =	shalt  }
0x81: {  	_ =	shalt  }
0x82: {  	_ =	shalt  }
0x83: {  	_ =	shalt  }
0x84: {  	_ =	shalt  }
0x85: {  	_ =	shalt  }
0x86: {  	_ =	shalt  }
0x87: {  	_ =	shalt  }
.Lfunc_end0:
.L_simem_size_0:
called_computation.2_lowered:
.L_overlay_start_0:
0x88: {  	s2 =	sld [smem:$0x3FD9]  }
0x89: {  	s3 =	sld [smem:$0x3FFE];
	_ =	sdelay $0x1  }
0x8a: {  	s1 =	srdreg.scid  }
0x8b: {  	s0 =	sand.u32 $0x1, s1  }
0x8c: {  	s17 =	sshll.u32 s0, $0xA;
	s2 =	sadd.s32 s3, s2  }
0x8d: {  	s2 =	sadd.s32 s2, s17  }
0x8e: {  	[smem:$0x3FC2] =	sst s2  }
0x8f: {  	_ = 	snop  }
0x90: {  	s2 =	sld [smem:$0x3FD0];
	(tm) =	ssettm $0x1  }
0x91: {  	s18 =	sld [smem:$0x3FFB];
	_ =	sdelay $0x3  }
0x92: {  	_ =	strace s18  }
0x93: {  	s3 =	sld [smem:$0x3FFC];
	_ =	sdelay $0x3  }
0x94: {  	_ =	strace s3  }
0x95: {  	s3 =	sld [smem:$0x3FFD];
	_ =	sdelay $0x3  }
0x96: {  	_ =	strace s3  }
0x97: {  	_ =	strace $0x8FFFFFFF  }
0x98: {  	s19 =	sld [smem:$0x3FDB];
	_ =	sdelay $0x1  }
0x99: {  	s4 =	simm.s32 $_scs_section_size  }
0x9a: {  	s5 =	simm.s32 $_size__tile_overlayer_lowered;
	s6 =	simm.s32 $_tile_overlayer_lowered  }
0x9b: {  	s22 =	simm.s32 $0x1BFF;
	s21 =	sshll.u32 s6, $0x1;
	s3 =	sadd.s32 s4, s19  }
0x9c: {  	s7 =	simm.s32 $0x0;
	s20 =	sshll.u32 s5, $0x1;
	s5 =	sadd.s32 s21, s3  }
0x9d: {  	[timem:s7], [sflag:s22] =	dma.local [hbm:s5], s20  }
0x9e: {  	_ =	swait.ge [sflag:s22], s20  }
0x9f: {  	s4 =	ssub.s32 $0x0, s20;
	[sflag:s22] =	ssyncset.done $0x0  }
0xa0: {  	[sflag:s22] =	ssyncadd.s32 s4;
	_ =	sdelay $0x1  }
0xa1: {  	s23 =	simm.s32 $0x1B8B  }
0xa2: {  	_ =	swait.ge [sflag:s23], $0x1  }
0xa3: {  	[sflag:s23] =	ssyncset.done $0x0  }
0xa4: {  	s25 =	simm.s32 $0x1B8E;
	s24 =	sld [smem:$0x3FFE];
	[sflag:s23] =	ssyncadd.s32 $0xFFFFFFFF  }
0xa5: {  	s26 =	simm.s32 $execute0_lowered;
	[smem:$0x3FD2] =	sst s25  }
0xa6: {  	s5 =	sshll.u32 s26, $0x1;
	_ =	strace $0x8000004C;
	[dreg:$0x1] =	wrdreg $0xFFFFFFFF  }
0xa7: {  	s28 =	simm.s32 $_size_execute0_lowered;
	s3 =	sadd.s32 s3, s5;
	[dreg:$0x0] =	wrdreg $0x0  }
0xa8: {  	s5 =	sshll.u32 s28, $0x1;
	[dreg:$0x2] =	wrdreg s3  }
0xa9: {  	[dreg:$0x3] =	wrdreg s5  }
0xaa: {  	[dreg:$0x4] =	wrdreg $0xC0  }
0xab: {  	_ =	task [dreg:s7], $0x5FFFF  }
0xac: {  	[dreg:$0x1] =	wrdreg $0xFFFFFFFF  }
0xad: {  	[dreg:$0x0] =	wrdreg $0x60  }
0xae: {  	[dreg:$0x2] =	wrdreg s24  }
0xaf: {  	[dreg:$0x3] =	wrdreg s2  }
0xb0: {  	[dreg:$0x4] =	wrdreg $0xA8000  }
0xb1: {  	[dreg:$0x5] =	wrdreg $0x9  }
0xb2: {  	_ =	task.clear_ibuf [dreg:s7], $0x6FFFF;
	_ =	strace $0x9000004C  }
0xb3: {  	s29 =	simm.s32 $0x9;
	_ =	strace $0x8000004E  }
0xb4: {  	_ =	swait.ge [sflag:s29], $0x1  }
0xb5: {  	[sflag:s29] =	ssyncadd.s32 $0xFFFFFFFF  }
0xb6: {  	_ =	strace $0x9000004E  }
0xb7: {  	_ =	sfence  }
0xb8: {  	s30 =	sld [smem:$0x0];
	_ =	sdelay $0x2  }
0xb9: {  	s31 =	sshll.u32 s1, $0xD;
	s1 =	sshrl.u32 s1, $0x2  }
0xba: {  	s3 =	sand.u32 $0x4000, s31;
	s1 =	sadd.s32 s1, s30  }
0xbb: {  	s0 =	sor.u32 s3, s0;
	s1 =	sshll.u32 s1, $0x11  }
0xbc: {  	s0 =	sor.u32 s1, s0  }
0xbd: {  	s0 =	sadd.s32 $0x8F2B, s0  }
0xbe: {  	[sflag:s0] =	ssyncadd.remote.s32 $0x1  }
0xbf: {  	_ =	sfence.sel $0xFFFF  }
0xc0: {  	[dreg:$0x0] =	wrdreg $0xFFFFFFFF;
	(pc) =	sbr.abs _section_cstart, $3  }
0xc1: {  	[dreg:$0x1] =	wrdreg $0xFFFFFFFF  }
0xc2: {  	_ =	task.clear_ibuf [dreg:s7], $0x2FFFF;
	_ =	strace $0x9FFFFFFF  }
0xc3: {  	(tm) =	ssettm $0x7FFFFFFF  }
tec
execute0_lowered:
.L_overlay_start_1:
0x0: {  	(tag) =	ssettag $0x1  }
0x1: {  	s5 =	rddreg [dreg:$0x0]  }
0x2: {  	s0 =	srdreg.scid;
	s8 =	rddreg [dreg:$0x1]  }
0x3: {  	s2 =	rddreg [dreg:$0x2];
	s1 =	stileid.u32  }
0x4: {  	s3 =	simm.s32 $0x0;
	s14 =	simm.s32 $0x80;
	s15 =	simm.s32 $0x2800  }
0x5: {  	s16 =	simm.s32 $0x6800;
	s17 =	simm.s32 $0x1;
	s18 =	simm.s32 $0x2  }
0x6: {  	s19 =	simm.s32 $0x3;
	s20 =	simm.s32 $0x4;
	s21 =	simm.s32 $0x0  }
0x7: {  	s6 =	sand.u32 $0x1, s0;
	s0 =	rddreg [dreg:$0x3];
	s9 =	smul.u32 $0x50000, s1  }
0x8: {  	[smem:$0x7FF] =	sst s3;
	s11 =	smul.u32 $0x14000, s1;
	s31 =	sshll.u32 s1, $0x6  }
0x9: {  	s4 =	sshll.u32 s6, $0x4;
	_ =	strace $0x8000004D;
	s10 =	ssub.s32 $0x2, s6  }
0xa: {  	s12 =	smul.u32 $0x140000, s6;
	s4 =	sor.u32 s1, s4;
	s26 =	sshrl.u32 s10, $0x1  }
0xb: {  	s28 =	sshrl.u32 s9, $0x2;
	s29 =	sshrl.u32 s11, $0x3;
	s7 =	smul.u32 $0x280, s4  }
0xc: {  	s4 =	sadd.s32 $0x5C400, s5;
	s10 =	ssub.s32 s10, s26;
	s11 =	sadd.s32 s11, s12  }
0xd: {  	s13 =	sadd.s32 s28, s2;
	s12 =	sor.u32 $0x1C05, s31;
	s30 =	sshrl.u32 s11, $0x3  }
0xe: {  	s9 =	smax.u32 s10, $0x1;
	s10 =	simm.s32 $0x5;
	s11 =	simm.s32 $0x1400  }
0xf: {  	s13 =	sshrl.u32 s13, $0x3;
	s7 =	sadd.s32 s7, s5;
	s8 =	sadd.s32 s8, s30  }
0x10: {  	s5 =	sadd.s32 $0x2400, s7;
	s6 =	sadd.s32 $0x7400, s7;
	s7 =	sadd.s32 s4, s29  }
.LBB2_1:
0x11: {  	[tilespmem:s3], [sflag:$0x5] =	stream.linear.gather [hbm4b:s5+s3], $0x1400, $0x38;
	[tilespmem:$0x1E800] =	vst v63  }
0x12: {  	_ =	swait.ge [sflag:s10], $0x1400  }
0x13: {  	[sflag:s10] =	ssyncset.done $0x0  }
0x14: {  	[sflag:s10] =	ssyncadd.s32 $0xFFFFEC00  }
0x15: {  	[tilespmem:s11], [sflag:$0x5] =	stream.linear.gather [hbm4b:s6+s3], $0x1400, $0x38;
	[tilespmem:$0x1E800] =	vst v63  }
0x16: {  	_ =	swait.ge [sflag:s10], $0x1400  }
0x17: {  	[sflag:s10] =	ssyncset.done $0x0  }
0x18: {  	[sflag:s10] =	ssyncadd.s32 $0xFFFFEC00  }
0x19: {  	[spmem:s13], [sflag:s12] =	dma.local [hbm:s7], $0x2800  }
0x1a: {  	_ =	swait.ge [sflag:s10], $0x2800  }
0x1b: {  	[sflag:s10] =	ssyncset.done $0x0  }
0x1c: {  	[sflag:s10] =	ssyncadd.s32 $0xFFFFD800  }
0x1d: {  	s22 =	simm.s32 $0x0;
	[bflag:$0x0] =	sbarrier.arrive $0xFFFF  }
0x1e: {  	[tilespmem:s15], [sflag:$0x1] =	stream.indirect.gather [hbm4b:s4+s14], $0x80, s22, s14, $0xb8;
	[tilespmem:$0x1E800] =	vst v63  }
0x1f: {  	s29 =	simm.s32 $0x80  }
0x20: {  	[tilespmem:s16], [sflag:$0x2] =	stream.indirect.gather [hbm4b:s4+s14], $0x80, s29, s14, $0xb8;
	[tilespmem:$0x1E800] =	vst v63  }
0x21: {  	_ =	swait.ge [sflag:s17], $0x4000  }
0x22: {  	[sflag:s17] =	ssyncset.done $0x0  }
0x23: {  	s30 =	simm.s32 $0x1400;
	[sflag:s17] =	ssyncadd.s32 $0xFFFFC000  }
0x24: {  	[spmem:s2] =	stream.indirect.scatter.add.f32 [tilespmem:s15], [sflag:$0x3], $0x80, s30, s14, $0xb8;
	[tilespmem:$0x1E800] =	vst v63  }
0x25: {  	_ =	swait.ge [sflag:s18], $0x4000  }
0x26: {  	[sflag:s18] =	ssyncset.done $0x0  }
0x27: {  	s31 =	simm.s32 $0x1480;
	[sflag:s18] =	ssyncadd.s32 $0xFFFFC000  }
0x28: {  	[spmem:s2] =	stream.indirect.scatter.add.f32 [tilespmem:s16], [sflag:$0x4], $0x80, s31, s14, $0xb8;
	[tilespmem:$0x1E800] =	vst v63  }
0x29: {  	_ =	swait.ge [sflag:s19], $0x4000  }
0x2a: {  	[sflag:s19] =	ssyncset.done $0x0  }
0x2b: {  	[sflag:s19] =	ssyncadd.s32 $0xFFFFC000  }
0x2c: {  	_ =	swait.ge [sflag:s20], $0x4000  }
0x2d: {  	s23 =	simm.s32 $0x800;
	s22 =	simm.s32 $0x400;
	[sflag:s20] =	ssyncset.done $0x0  }
.LBB2_2:
0x2e: {  	s24 =	sshra.s32 s22, $0x2  }
0x2f: {  	[sflag:s20] =	ssyncadd.s32 $0xFFFFC000;
	s22 =	smov.u32 s23;
	s25 =	sadd.s32 $0x400, s23  }
0x30: {  	[tilespmem:s15], [sflag:$0x1] =	stream.indirect.gather [hbm4b:s4+s14], $0x80, s24, s14, $0xb8;
	[tilespmem:$0x1E800] =	vst v63  }
0x31: {  	p0 =	sne.s32 s23, $0x4C00;
	s23 =	sadd.s32 $0x80, s24  }
0x32: {  	[tilespmem:s16], [sflag:$0x2] =	stream.indirect.gather [hbm4b:s4+s14], $0x80, s23, s14, $0xb8;
	[tilespmem:$0x1E800] =	vst v63  }
0x33: {  	_ =	swait.ge [sflag:s17], $0x4000  }
0x34: {  	[sflag:s17] =	ssyncset.done $0x0  }
0x35: {  	s23 =	sadd.s32 $0x1400, s24;
	[sflag:s17] =	ssyncadd.s32 $0xFFFFC000  }
0x36: {  	[spmem:s2] =	stream.indirect.scatter.add.f32 [tilespmem:s15], [sflag:$0x3], $0x80, s23, s14, $0xb8;
	[tilespmem:$0x1E800] =	vst v63  }
0x37: {  	_ =	swait.ge [sflag:s18], $0x4000  }
0x38: {  	[sflag:s18] =	ssyncset.done $0x0  }
0x39: {  	s23 =	sadd.s32 $0x1480, s24;
	[sflag:s18] =	ssyncadd.s32 $0xFFFFC000  }
0x3a: {  	[spmem:s2] =	stream.indirect.scatter.add.f32 [tilespmem:s16], [sflag:$0x4], $0x80, s23, s14, $0xb8;
	[tilespmem:$0x1E800] =	vst v63  }
.Ltmp0:
0x3b: {  	_ =	swait.ge [sflag:s19], $0x4000;
	(pc) =	sbr.rel @p0 .LBB2_2-.Ltmp0, $4  }
0x3c: {  	[sflag:s19] =	ssyncset.done $0x0  }
0x3d: {  	[sflag:s19] =	ssyncadd.s32 $0xFFFFC000  }
0x3e: {  	_ =	swait.ge [sflag:s20], $0x4000  }
0x3f: {  	s23 =	smov.u32 s25;
	[sflag:s20] =	ssyncset.done $0x0  }
0x40: {  	s22 =	sshra.s32 s22, $0x2;
	[sflag:s20] =	ssyncadd.s32 $0xFFFFC000  }
0x41: {  	[tilespmem:s15], [sflag:$0x1] =	stream.indirect.gather [hbm4b:s4+s14], $0x80, s22, s14, $0xb8;
	[tilespmem:$0x1E800] =	vst v63  }
0x42: {  	s23 =	sadd.s32 $0x80, s22  }
0x43: {  	[tilespmem:s16], [sflag:$0x2] =	stream.indirect.gather [hbm4b:s4+s14], $0x80, s23, s14, $0xb8;
	[tilespmem:$0x1E800] =	vst v63  }
0x44: {  	_ =	swait.ge [sflag:s17], $0x4000  }
0x45: {  	[sflag:s17] =	ssyncset.done $0x0  }
0x46: {  	s31 =	sadd.s32 $0x1400, s22;
	[sflag:s17] =	ssyncadd.s32 $0xFFFFC000  }
0x47: {  	[spmem:s2] =	stream.indirect.scatter.add.f32 [tilespmem:s15], [sflag:$0x3], $0x80, s31, s14, $0xb8;
	[tilespmem:$0x1E800] =	vst v63  }
0x48: {  	_ =	swait.ge [sflag:s18], $0x4000  }
0x49: {  	[sflag:s18] =	ssyncset.done $0x0  }
0x4a: {  	s22 =	sadd.s32 $0x1480, s22;
	[sflag:s18] =	ssyncadd.s32 $0xFFFFC000  }
0x4b: {  	[spmem:s2] =	stream.indirect.scatter.add.f32 [tilespmem:s16], [sflag:$0x4], $0x80, s22, s14, $0xb8;
	[tilespmem:$0x1E800] =	vst v63  }
0x4c: {  	_ =	swait.ge [sflag:s19], $0x4000  }
0x4d: {  	[sflag:s19] =	ssyncset.done $0x0  }
0x4e: {  	[sflag:s19] =	ssyncadd.s32 $0xFFFFC000  }
0x4f: {  	_ =	swait.ge [sflag:s20], $0x4000  }
0x50: {  	s21 =	sadd.s32 $0x1, s21;
	[sflag:s20] =	ssyncset.done $0x0  }
0x51: {  	p0 =	sne.s32 s21, s9;
	[sflag:s20] =	ssyncadd.s32 $0xFFFFC000  }
.Ltmp1:
0x52: {  	[bflag:$0x0] =	sbarrier.arrive $0xFFFF;
	(pc) =	sbr.rel @p0 .LBB2_1-.Ltmp1, $4  }
0x53: {  	[hbm:s8], [sflag:s12] =	dma.local [spmem:s13], $0x2800  }
0x54: {  	_ =	swait.ge [sflag:s10], $0x2800  }
0x55: {  	[sflag:s10] =	ssyncset.done $0x0  }
0x56: {  	[sflag:s10] =	ssyncadd.s32 $0xFFFFD800  }
0x57: {  	_ =	sfence.sel $0x180000  }
0x58: {  	[bflag:$0x0] =	sbarrier.arrive $0xFFFF  }
0x59: {  	p0 =	sne.s32 s1, $0x0;
	_ =	strace $0x9000004D  }
0x5a: {  	s0 =	sadd.s32 @!p0 $0x100000, s0;
	[bflag:$0x2] =	sbarrier.arrive $0xFFFF  }
0x5b: {  	[sflag:s0] =	ssyncadd.tile.s32 @!p0 $0x1;
	_ =	shalt  }
.Lfunc_end2:
_tile_overlayer_lowered:
.L_overlay_start_2:
0x5c: {  	(tag) =	ssettag $0x2  }
0x5d: {  	s0 =	rddreg [dreg:$0x0];
	s2 =	stileid.u32  }
0x5e: {  	s1 =	rddreg [dreg:$0x1];
	p0 =	sne.s32 s2, $0x0  }
0x5f: {  	s3 =	rddreg [dreg:$0x2];
	[bflag:$0x3] =	sbarrier.arrive $0xFFFF;
	s2 =	simm.s32 @!p0 $0x1C05  }
0x60: {  	[timem:s3], [sflag:s2] =	dma.local @!p0 [hbm:s0], s1  }
0x61: {  	s0 =	simm.s32 @!p0 $0x5  }
0x62: {  	_ =	swait.ge @!p0 [sflag:s0], s1  }
0x63: {  	s1 =	ssub.s32 @!p0 $0x0, s1;
	[sflag:s0] =	ssyncset.done @!p0 $0x0  }
0x64: {  	[sflag:s0] =	ssyncadd.s32 @!p0 s1  }
0x65: {  	[bflag:$0x3] =	sbarrier.arrive $0xFFFF  }
0x66: {  	_ =	shalt  }

// kernel: kernel.9.cloned.1.call-start
scs
__scs_entry_jumppad:
0x0: {  	(pc) =	sbr.rel $0x88, $3  }
0x1: {  	(tag) =	ssettag $0x0;
	lr =	simm.s32 $0x1  }
0x2: {  	[smem:$0x3F9B] =	sst lr;
	_ =	strace $0xD0000000  }
0x3: {  	_ = 	snop  }
0x4: {  	_ = 	snop  }
0x5: {  	_ = 	snop  }
0x6: {  	_ = 	snop  }
0x7: {  	_ = 	snop  }
__scs_overlays_trampoline_lowered:
0x8: {  	[smem:$0x3FAA] =	sst s0  }
0x9: {  	[smem:$0x3FAB] =	sst s1  }
0xa: {  	[smem:$0x3FAC] =	sst s2  }
0xb: {  	[smem:$0x3FAD] =	sst s3  }
0xc: {  	[smem:$0x3FAE] =	sst s4  }
0xd: {  	[smem:$0x3FAF] =	sst s5  }
0xe: {  	[smem:$0x3FB0] =	sst s6  }
0xf: {  	[smem:$0x3FB1] =	sst s7  }
0x10: {  	[smem:$0x3FB2] =	sst s8  }
0x11: {  	[smem:$0x3FB3] =	sst s9;
	s0 =	simm.s32 @!p0 $0x0  }
0x12: {  	s1 =	sld [smem:$0x3F99];
	s0 =	simm.s32 @p0 $0x1  }
0x13: {  	[smem:$0x3FB4] =	sst s0;
	s0 =	simm.s32 @!p1 $0x0  }
0x14: {  	s2 =	sld [smem:$0x3F98];
	s0 =	simm.s32 @p1 $0x1  }
0x15: {  	[smem:$0x3FB5] =	sst s0;
	s0 =	simm.s32 @!p2 $0x0  }
0x16: {  	s3 =	sld [smem:$0x3FDB];
	s0 =	simm.s32 @p2 $0x1  }
0x17: {  	s4 =	simm.s32 $0x1BF5;
	[smem:$0x3FB7] =	sst s0  }
0x18: {  	s0 =	sld [smem:$0x3F9A];
	_ =	swait.ge [sflag:s4], $0x0  }
0x19: {  	s7 =	sld [smem:$0x3F9B]  }
0x1a: {  	s8 =	sadd.s32 $0xFFFFE003, lr  }
0x1b: {  	s9 =	sadd.s32 $0xFFFFFEF7, lr;
	s5 =	simm.s32 $0xFFFFFFFF;
	p2 =	slt.u32 s8, $0xFFFFF086  }
0x1c: {  	p1 =	slt.u32 s9, $0xF7A;
	s5 =	simm.s32 @!p2 $0x0  }
0x1d: {  	s5 =	simm.s32 @p1 $0x1;
	p0 =	seq.s32 s7, s2  }
0x1e: {  	s7 =	smul.u32 @!p0 $0xF7A, s2;
	p2 =	seq.s32 @!p0 s5, $0x0  }
0x1f: {  	s9 =	smul.u32 $0xF7A, s1;
	s8 =	simm.s32 @!p0 $0x1BF5;
	p2 =	por !p2, p0  }
0x20: {  	[sflag:s8] =	ssyncset.s32 @!p0 $0xFFFFF086;
	s6 =	sadd.s32 @!p0 s3, s7;
	s7 =	simm.s32 @!p0 $0x108  }
0x21: {  	s3 =	sadd.s32 s3, s9;
	s6 =	sadd.s32 @!p0 $0x88, s6;
	s7 =	simm.s32 @p2 $0x1082  }
0x22: {  	[simem:s7], [sflag:s8] =	dma.local @!p0 [hbm:s6], $0xF7A  }
0x23: {  	s9 =	sor.u32 $0xD0000000, s2;
	s6 =	simm.s32 $0x108;
	_ =	swait.ge @!p0 [sflag:s8], $0x0  }
0x24: {  	s3 =	sadd.s32 $0x88, s3;
	s6 =	simm.s32 @!p1 $0x1082;
	[sflag:s4] =	ssyncset.s32 $0xFFFFF086  }
0x25: {  	[simem:s6], [sflag:s4] =	dma.local [hbm:s3], $0xF7A  }
0x26: {  	[smem:$0x3F9B] =	sst s1;
	(tag) =	ssettag s2;
	_ =	strace s9  }
0x27: {  	s1 =	sld [smem:$0x3FAB]  }
0x28: {  	s2 =	sld [smem:$0x3FAC]  }
0x29: {  	s4 =	sld [smem:$0x3FAE]  }
0x2a: {  	p0 =	seq.s32 s5, $0x0;
	s5 =	sld [smem:$0x3FAF]  }
0x2b: {  	s6 =	sld [smem:$0x3FB0]  }
0x2c: {  	s7 =	sld [smem:$0x3FB1]  }
0x2d: {  	s3 =	simm.s32 $0x108;
	s8 =	sld [smem:$0x3FB2]  }
0x2e: {  	s3 =	simm.s32 @!p0 $0x1082;
	s9 =	sld [smem:$0x3FB3]  }
0x2f: {  	lr =	sadd.s32 s0, s3;
	s0 =	sld [smem:$0x3FAA]  }
0x30: {  	s3 =	sld [smem:$0x3FAD]  }
0x31: {  	[smem:$0x3FB6] =	sst s10  }
0x32: {  	s10 =	sld [smem:$0x3FB4];
	_ =	sdelay $0x3  }
0x33: {  	p0 =	seq.s32 s10, $0x1;
	s10 =	sld [smem:$0x3FB6];
	_ =	sdelay $0x3  }
0x34: {  	[smem:$0x3FB6] =	sst s10  }
0x35: {  	s10 =	sld [smem:$0x3FB5];
	_ =	sdelay $0x3  }
0x36: {  	p1 =	seq.s32 s10, $0x1;
	s10 =	sld [smem:$0x3FB6];
	_ =	sdelay $0x3  }
0x37: {  	[smem:$0x3FB6] =	sst s10  }
0x38: {  	s10 =	sld [smem:$0x3FB7]  }
0x39: {  	_ = 	snop;
	(pc) =	sbr.ind lr, $3  }
0x3a: {  	_ = 	snop  }
0x3b: {  	_ = 	snop  }
0x3c: {  	p2 =	seq.s32 s10, $0x1;
	s10 =	sld [smem:$0x3FB6]  }
0x3d: {  	_ =	shalt  }
0x3e: {  	_ =	shalt  }
0x3f: {  	_ =	shalt  }
0x40: {  	_ =	shalt  }
0x41: {  	_ =	shalt  }
0x42: {  	_ =	shalt  }
0x43: {  	_ =	shalt  }
0x44: {  	_ =	shalt  }
0x45: {  	_ =	shalt  }
0x46: {  	_ =	shalt  }
0x47: {  	_ =	shalt  }
0x48: {  	_ =	shalt  }
0x49: {  	_ =	shalt  }
0x4a: {  	_ =	shalt  }
0x4b: {  	_ =	shalt  }
0x4c: {  	_ =	shalt  }
0x4d: {  	_ =	shalt  }
0x4e: {  	_ =	shalt  }
0x4f: {  	_ =	shalt  }
0x50: {  	_ =	shalt  }
0x51: {  	_ =	shalt  }
0x52: {  	_ =	shalt  }
0x53: {  	_ =	shalt  }
0x54: {  	_ =	shalt  }
0x55: {  	_ =	shalt  }
0x56: {  	_ =	shalt  }
0x57: {  	_ =	shalt  }
0x58: {  	_ =	shalt  }
0x59: {  	_ =	shalt  }
0x5a: {  	_ =	shalt  }
0x5b: {  	_ =	shalt  }
0x5c: {  	_ =	shalt  }
0x5d: {  	_ =	shalt  }
0x5e: {  	_ =	shalt  }
0x5f: {  	_ =	shalt  }
0x60: {  	_ =	shalt  }
0x61: {  	_ =	shalt  }
0x62: {  	_ =	shalt  }
0x63: {  	_ =	shalt  }
0x64: {  	_ =	shalt  }
0x65: {  	_ =	shalt  }
0x66: {  	_ =	shalt  }
0x67: {  	_ =	shalt  }
0x68: {  	_ =	shalt  }
0x69: {  	_ =	shalt  }
0x6a: {  	_ =	shalt  }
0x6b: {  	_ =	shalt  }
0x6c: {  	_ =	shalt  }
0x6d: {  	_ =	shalt  }
0x6e: {  	_ =	shalt  }
0x6f: {  	_ =	shalt  }
0x70: {  	_ =	shalt  }
0x71: {  	_ =	shalt  }
0x72: {  	_ =	shalt  }
0x73: {  	_ =	shalt  }
0x74: {  	_ =	shalt  }
0x75: {  	_ =	shalt  }
0x76: {  	_ =	shalt  }
0x77: {  	_ =	shalt  }
0x78: {  	_ =	shalt  }
0x79: {  	_ =	shalt  }
0x7a: {  	_ =	shalt  }
0x7b: {  	_ =	shalt  }
0x7c: {  	_ =	shalt  }
0x7d: {  	_ =	shalt  }
0x7e: {  	_ =	shalt  }
0x7f: {  	_ =	shalt  }
0x80: {  	_ =	shalt  }
0x81: {  	_ =	shalt  }
0x82: {  	_ =	shalt  }
0x83: {  	_ =	shalt  }
0x84: {  	_ =	shalt  }
0x85: {  	_ =	shalt  }
0x86: {  	_ =	shalt  }
0x87: {  	_ =	shalt  }
.Lfunc_end0:
.L_simem_size_0:
called_computation_lowered:
.L_overlay_start_0:
0x88: {  	s2 =	sld [smem:$0x3FD9]  }
0x89: {  	s3 =	sld [smem:$0x3FFE];
	_ =	sdelay $0x1  }
0x8a: {  	s1 =	srdreg.scid  }
0x8b: {  	s0 =	sand.u32 $0x1, s1  }
0x8c: {  	s16 =	sshll.u32 s0, $0xA;
	s2 =	sadd.s32 s3, s2  }
0x8d: {  	s2 =	sadd.s32 s2, s16  }
0x8e: {  	[smem:$0x3FC2] =	sst s2  }
0x8f: {  	_ = 	snop  }
0x90: {  	(tm) =	ssettm $0x1  }
0x91: {  	s17 =	sld [smem:$0x3FFB];
	_ =	sdelay $0x3  }
0x92: {  	_ =	strace s17  }
0x93: {  	s2 =	sld [smem:$0x3FFC];
	_ =	sdelay $0x3  }
0x94: {  	_ =	strace s2  }
0x95: {  	s2 =	sld [smem:$0x3FFD];
	_ =	sdelay $0x3  }
0x96: {  	_ =	strace s2  }
0x97: {  	_ =	strace $0x8FFFFFFF  }
0x98: {  	s18 =	sld [smem:$0x3FDB];
	_ =	sdelay $0x1  }
0x99: {  	s19 =	simm.s32 $_scs_section_size  }
0x9a: {  	s4 =	simm.s32 $_size__tile_overlayer_lowered;
	s5 =	simm.s32 $_tile_overlayer_lowered  }
0x9b: {  	s22 =	simm.s32 $0x1BFF;
	s21 =	sshll.u32 s5, $0x1;
	s2 =	sadd.s32 s19, s18  }
0x9c: {  	s6 =	simm.s32 $0x0;
	s20 =	sshll.u32 s4, $0x1;
	s4 =	sadd.s32 s21, s2  }
0x9d: {  	[timem:s6], [sflag:s22] =	dma.local [hbm:s4], s20  }
0x9e: {  	_ =	swait.ge [sflag:s22], s20  }
0x9f: {  	s3 =	ssub.s32 $0x0, s20;
	[sflag:s22] =	ssyncset.done $0x0  }
0xa0: {  	[sflag:s22] =	ssyncadd.s32 s3;
	_ =	sdelay $0x1  }
0xa1: {  	s23 =	simm.s32 $0x1B8B  }
0xa2: {  	_ =	swait.ge [sflag:s23], $0x1  }
0xa3: {  	[sflag:s23] =	ssyncset.done $0x0  }
0xa4: {  	s25 =	simm.s32 $0x1B8E;
	s24 =	sld [smem:$0x3FFE];
	[sflag:s23] =	ssyncadd.s32 $0xFFFFFFFF  }
0xa5: {  	s26 =	simm.s32 $execute0_lowered;
	[smem:$0x3FD2] =	sst s25  }
0xa6: {  	s4 =	sshll.u32 s26, $0x1;
	_ =	strace $0x80000046;
	[dreg:$0x1] =	wrdreg $0xFFFFFFFF  }
0xa7: {  	s28 =	simm.s32 $_size_execute0_lowered;
	s2 =	sadd.s32 s2, s4;
	[dreg:$0x0] =	wrdreg $0x0  }
0xa8: {  	s4 =	sshll.u32 s28, $0x1;
	[dreg:$0x2] =	wrdreg s2  }
0xa9: {  	[dreg:$0x3] =	wrdreg s4  }
0xaa: {  	[dreg:$0x4] =	wrdreg $0xC0  }
0xab: {  	_ =	task [dreg:s6], $0x5FFFF  }
0xac: {  	[dreg:$0x1] =	wrdreg $0xFFFFFFFF  }
0xad: {  	[dreg:$0x0] =	wrdreg $0x60  }
0xae: {  	[dreg:$0x2] =	wrdreg s24  }
0xaf: {  	[dreg:$0x3] =	wrdreg $0x68000  }
0xb0: {  	[dreg:$0x4] =	wrdreg $0x9  }
0xb1: {  	_ =	task.clear_ibuf [dreg:s6], $0x5FFFF;
	_ =	strace $0x90000046  }
0xb2: {  	s29 =	simm.s32 $0x9;
	_ =	strace $0x80000048  }
0xb3: {  	_ =	swait.ge [sflag:s29], $0x1  }
0xb4: {  	[sflag:s29] =	ssyncadd.s32 $0xFFFFFFFF  }
0xb5: {  	_ =	strace $0x90000048  }
0xb6: {  	_ =	sfence  }
0xb7: {  	s30 =	sld [smem:$0x0];
	_ =	sdelay $0x2  }
0xb8: {  	s31 =	sshll.u32 s1, $0xD;
	s1 =	sshrl.u32 s1, $0x2  }
0xb9: {  	s3 =	sand.u32 $0x4000, s31;
	s1 =	sadd.s32 s1, s30  }
0xba: {  	s0 =	sor.u32 s3, s0;
	s1 =	sshll.u32 s1, $0x11  }
0xbb: {  	s0 =	sor.u32 s1, s0  }
0xbc: {  	s0 =	sadd.s32 $0x8F2B, s0  }
0xbd: {  	[sflag:s0] =	ssyncadd.remote.s32 $0x1  }
0xbe: {  	_ =	sfence.sel $0xFFFF  }
0xbf: {  	[dreg:$0x0] =	wrdreg $0xFFFFFFFF;
	(pc) =	sbr.abs _section_cstart, $3  }
0xc0: {  	[dreg:$0x1] =	wrdreg $0xFFFFFFFF  }
0xc1: {  	_ =	task.clear_ibuf [dreg:s6], $0x2FFFF;
	_ =	strace $0x9FFFFFFF  }
0xc2: {  	(tm) =	ssettm $0x7FFFFFFF  }
0xc3: {  	_ =	shalt  }
tec
execute0_lowered:
.L_overlay_start_1:
0x0: {  	(tag) =	ssettag $0x1  }
0x1: {  	s4 =	rddreg [dreg:$0x0]  }
0x2: {  	s1 =	rddreg [dreg:$0x1]  }
0x3: {  	s2 =	srdreg.scid;
	s0 =	rddreg [dreg:$0x2];
	s3 =	simm.s32 $0x0  }
0x4: {  	s23 =	simm.s32 $0x1;
	s24 =	simm.s32 $0x5400;
	s25 =	simm.s32 $0x80  }
0x5: {  	s26 =	simm.s32 $0x1400;
	s28 =	simm.s32 $0x0;
	s5 =	sand.u32 $0x1, s2  }
0x6: {  	s2 =	stileid.u32;
	s6 =	sshll.u32 s5, $0x4;
	s7 =	smul.u32 $0x140000, s5  }
0x7: {  	[smem:$0x7FF] =	sst s3;
	s8 =	smul.u32 $0x14000, s2;
	s6 =	sor.u32 s2, s6  }
0x8: {  	_ =	strace $0x80000047;
	s5 =	ssub.s32 $0x2, s5;
	s6 =	smul.u32 $0x280, s6  }
0x9: {  	s31 =	smul.u32 $0x50000, s2;
	s9 =	sshrl.u32 s5, $0x1;
	s7 =	sadd.s32 s8, s7  }
0xa: {  	s9 =	ssub.s32 s5, s9;
	s7 =	sshrl.u32 s7, $0x3;
	s6 =	sadd.s32 s6, s4  }
0xb: {  	s8 =	sshrl.u32 s31, $0x2;
	s7 =	sadd.s32 s7, s4;
	s4 =	sadd.s32 $0x7400, s6  }
0xc: {  	s5 =	sadd.s32 $0xC400, s7;
	s6 =	sadd.s32 s8, s1;
	s7 =	smax.u32 s9, $0x1  }
0xd: {  	s8 =	sadd.s32 $0x1400, s6;
	s9 =	sadd.s32 $0x2800, s6;
	s10 =	sadd.s32 $0x3C00, s6  }
0xe: {  	s11 =	sadd.s32 $0x5000, s6;
	s12 =	sadd.s32 $0x6400, s6;
	s13 =	sadd.s32 $0x7800, s6  }
0xf: {  	s14 =	sadd.s32 $0x8C00, s6;
	s15 =	sadd.s32 $0xA000, s6;
	s16 =	sadd.s32 $0xB400, s6  }
0x10: {  	s17 =	sadd.s32 $0xC800, s6;
	s18 =	sadd.s32 $0xDC00, s6;
	s19 =	sadd.s32 $0xF000, s6  }
0x11: {  	v0 =	vimm.f32 $1.000000000e+00;
	v1 =	vimm.f32 $0.0e+00;
	s20 =	sadd.s32 $0x10400, s6;
	s21 =	sadd.s32 $0x11800, s6;
	s22 =	sadd.s32 $0x12C00, s6  }
.LBB2_1:
0x12: {  	[tilespmem:s3], [sflag:$0x1] =	stream.linear.gather [hbm4b:s4+s3], $0x1400, $0x38;
	[tilespmem:$0x1A800] =	vst v63  }
0x13: {  	_ =	swait.ge [sflag:s23], $0x1400  }
0x14: {  	[sflag:s23] =	ssyncset.done $0x0  }
0x15: {  	s29 =	simm.s32 $0x0;
	s30 =	simm.s32 $0x200;
	[sflag:s23] =	ssyncadd.s32 $0xFFFFEC00  }
.LBB2_2:
0x16: {  	p0 =	sne.s32 s30, $0xFE00;
	[tilespmem:s29+$0x1470] =	vst v0  }
0x17: {  	[tilespmem:s29+$0x1400] =	vst v0  }
0x18: {  	[tilespmem:s29+$0x1410] =	vst v0  }
.Ltmp0:
0x19: {  	[tilespmem:s29+$0x1420] =	vst v0;
	(pc) =	sbr.rel @p0 .LBB2_2-.Ltmp0, $4  }
0x1a: {  	[tilespmem:s29+$0x1430] =	vst v0  }
0x1b: {  	[tilespmem:s29+$0x1440] =	vst v0  }
0x1c: {  	[tilespmem:s29+$0x1450] =	vst v0  }
0x1d: {  	[tilespmem:s29+$0x1460] =	vst v0;
	s29 =	sshra.s32 s30, $0x2;
	s30 =	sadd.s32 $0x200, s30  }
0x1e: {  	[tilespmem:s29+$0x1470] =	vst v0  }
0x1f: {  	[tilespmem:s29+$0x1400] =	vst v0  }
0x20: {  	[tilespmem:s29+$0x1410] =	vst v0  }
0x21: {  	[tilespmem:s29+$0x1420] =	vst v0  }
0x22: {  	[tilespmem:s29+$0x1430] =	vst v0  }
0x23: {  	[tilespmem:s29+$0x1440] =	vst v0  }
0x24: {  	[tilespmem:s29+$0x1450] =	vst v0  }
0x25: {  	[tilespmem:s29+$0x1460] =	vst v0;
	s29 =	simm.s32 $0x70;
	s30 =	simm.s32 $0x3C0  }
.LBB2_4:
0x26: {  	p0 =	sne.s32 s30, $0x4FC0;
	[tilespmem:s29+$0x5400] =	vst v1  }
0x27: {  	[tilespmem:s29+$0x5390] =	vst v1  }
0x28: {  	[tilespmem:s29+$0x53A0] =	vst v1  }
.Ltmp1:
0x29: {  	[tilespmem:s29+$0x53B0] =	vst v1;
	(pc) =	sbr.rel @p0 .LBB2_4-.Ltmp1, $4  }
0x2a: {  	[tilespmem:s29+$0x53C0] =	vst v1  }
0x2b: {  	[tilespmem:s29+$0x53D0] =	vst v1  }
0x2c: {  	[tilespmem:s29+$0x53E0] =	vst v1  }
0x2d: {  	[tilespmem:s29+$0x53F0] =	vst v1;
	s29 =	sshra.s32 s30, $0x2;
	s30 =	sadd.s32 $0x200, s30  }
0x2e: {  	[tilespmem:s29+$0x5400] =	vst v1  }
0x2f: {  	[tilespmem:s29+$0x5390] =	vst v1  }
0x30: {  	[tilespmem:s29+$0x53A0] =	vst v1  }
0x31: {  	[tilespmem:s29+$0x53B0] =	vst v1  }
0x32: {  	[tilespmem:s29+$0x53C0] =	vst v1  }
0x33: {  	[tilespmem:s29+$0x53D0] =	vst v1  }
0x34: {  	[tilespmem:s29+$0x53E0] =	vst v1  }
0x35: {  	[tilespmem:s29+$0x53F0] =	vst v1  }
0x36: {  	[spmem:s6] =	stream.linear.scatter [tilespmem:s24], [sflag:$0x1], $0x1400, $0x38;
	[tilespmem:$0x1A800] =	vst v63  }
0x37: {  	_ =	swait.ge [sflag:s23], $0x1400  }
0x38: {  	[sflag:s23] =	ssyncset.done $0x0  }
0x39: {  	[sflag:s23] =	ssyncadd.s32 $0xFFFFEC00  }
0x3a: {  	[spmem:s8] =	stream.linear.scatter [tilespmem:s24], [sflag:$0x1], $0x1400, $0x38;
	[tilespmem:$0x1A800] =	vst v63  }
0x3b: {  	_ =	swait.ge [sflag:s23], $0x1400  }
0x3c: {  	[sflag:s23] =	ssyncset.done $0x0  }
0x3d: {  	[sflag:s23] =	ssyncadd.s32 $0xFFFFEC00  }
0x3e: {  	[spmem:s9] =	stream.linear.scatter [tilespmem:s24], [sflag:$0x1], $0x1400, $0x38;
	[tilespmem:$0x1A800] =	vst v63  }
0x3f: {  	_ =	swait.ge [sflag:s23], $0x1400  }
0x40: {  	[sflag:s23] =	ssyncset.done $0x0  }
0x41: {  	[sflag:s23] =	ssyncadd.s32 $0xFFFFEC00  }
0x42: {  	[spmem:s10] =	stream.linear.scatter [tilespmem:s24], [sflag:$0x1], $0x1400, $0x38;
	[tilespmem:$0x1A800] =	vst v63  }
0x43: {  	_ =	swait.ge [sflag:s23], $0x1400  }
0x44: {  	[sflag:s23] =	ssyncset.done $0x0  }
0x45: {  	[sflag:s23] =	ssyncadd.s32 $0xFFFFEC00  }
0x46: {  	[spmem:s11] =	stream.linear.scatter [tilespmem:s24], [sflag:$0x1], $0x1400, $0x38;
	[tilespmem:$0x1A800] =	vst v63  }
0x47: {  	_ =	swait.ge [sflag:s23], $0x1400  }
0x48: {  	[sflag:s23] =	ssyncset.done $0x0  }
0x49: {  	[sflag:s23] =	ssyncadd.s32 $0xFFFFEC00  }
0x4a: {  	[spmem:s12] =	stream.linear.scatter [tilespmem:s24], [sflag:$0x1], $0x1400, $0x38;
	[tilespmem:$0x1A800] =	vst v63  }
0x4b: {  	_ =	swait.ge [sflag:s23], $0x1400  }
0x4c: {  	[sflag:s23] =	ssyncset.done $0x0  }
0x4d: {  	[sflag:s23] =	ssyncadd.s32 $0xFFFFEC00  }
0x4e: {  	[spmem:s13] =	stream.linear.scatter [tilespmem:s24], [sflag:$0x1], $0x1400, $0x38;
	[tilespmem:$0x1A800] =	vst v63  }
0x4f: {  	_ =	swait.ge [sflag:s23], $0x1400  }
0x50: {  	[sflag:s23] =	ssyncset.done $0x0  }
0x51: {  	[sflag:s23] =	ssyncadd.s32 $0xFFFFEC00  }
0x52: {  	[spmem:s14] =	stream.linear.scatter [tilespmem:s24], [sflag:$0x1], $0x1400, $0x38;
	[tilespmem:$0x1A800] =	vst v63  }
0x53: {  	_ =	swait.ge [sflag:s23], $0x1400  }
0x54: {  	[sflag:s23] =	ssyncset.done $0x0  }
0x55: {  	[sflag:s23] =	ssyncadd.s32 $0xFFFFEC00  }
0x56: {  	[spmem:s15] =	stream.linear.scatter [tilespmem:s24], [sflag:$0x1], $0x1400, $0x38;
	[tilespmem:$0x1A800] =	vst v63  }
0x57: {  	_ =	swait.ge [sflag:s23], $0x1400  }
0x58: {  	[sflag:s23] =	ssyncset.done $0x0  }
0x59: {  	[sflag:s23] =	ssyncadd.s32 $0xFFFFEC00  }
0x5a: {  	[spmem:s16] =	stream.linear.scatter [tilespmem:s24], [sflag:$0x1], $0x1400, $0x38;
	[tilespmem:$0x1A800] =	vst v63  }
0x5b: {  	_ =	swait.ge [sflag:s23], $0x1400  }
0x5c: {  	[sflag:s23] =	ssyncset.done $0x0  }
0x5d: {  	[sflag:s23] =	ssyncadd.s32 $0xFFFFEC00  }
0x5e: {  	[spmem:s17] =	stream.linear.scatter [tilespmem:s24], [sflag:$0x1], $0x1400, $0x38;
	[tilespmem:$0x1A800] =	vst v63  }
0x5f: {  	_ =	swait.ge [sflag:s23], $0x1400  }
0x60: {  	[sflag:s23] =	ssyncset.done $0x0  }
0x61: {  	[sflag:s23] =	ssyncadd.s32 $0xFFFFEC00  }
0x62: {  	[spmem:s18] =	stream.linear.scatter [tilespmem:s24], [sflag:$0x1], $0x1400, $0x38;
	[tilespmem:$0x1A800] =	vst v63  }
0x63: {  	_ =	swait.ge [sflag:s23], $0x1400  }
0x64: {  	[sflag:s23] =	ssyncset.done $0x0  }
0x65: {  	[sflag:s23] =	ssyncadd.s32 $0xFFFFEC00  }
0x66: {  	[spmem:s19] =	stream.linear.scatter [tilespmem:s24], [sflag:$0x1], $0x1400, $0x38;
	[tilespmem:$0x1A800] =	vst v63  }
0x67: {  	_ =	swait.ge [sflag:s23], $0x1400  }
0x68: {  	[sflag:s23] =	ssyncset.done $0x0  }
0x69: {  	[sflag:s23] =	ssyncadd.s32 $0xFFFFEC00  }
0x6a: {  	[spmem:s20] =	stream.linear.scatter [tilespmem:s24], [sflag:$0x1], $0x1400, $0x38;
	[tilespmem:$0x1A800] =	vst v63  }
0x6b: {  	_ =	swait.ge [sflag:s23], $0x1400  }
0x6c: {  	[sflag:s23] =	ssyncset.done $0x0  }
0x6d: {  	[sflag:s23] =	ssyncadd.s32 $0xFFFFEC00  }
0x6e: {  	[spmem:s21] =	stream.linear.scatter [tilespmem:s24], [sflag:$0x1], $0x1400, $0x38;
	[tilespmem:$0x1A800] =	vst v63  }
0x6f: {  	_ =	swait.ge [sflag:s23], $0x1400  }
0x70: {  	[sflag:s23] =	ssyncset.done $0x0  }
0x71: {  	[sflag:s23] =	ssyncadd.s32 $0xFFFFEC00  }
0x72: {  	[spmem:s22] =	stream.linear.scatter [tilespmem:s24], [sflag:$0x1], $0x1400, $0x38;
	[tilespmem:$0x1A800] =	vst v63  }
0x73: {  	_ =	swait.ge [sflag:s23], $0x1400  }
0x74: {  	[sflag:s23] =	ssyncset.done $0x0  }
0x75: {  	[sflag:s23] =	ssyncadd.s32 $0xFFFFEC00  }
0x76: {  	s29 =	simm.s32 $0x0;
	[bflag:$0x0] =	sbarrier.arrive $0xFFFF  }
0x77: {  	[spmem:s1] =	stream.indirect.scatter.add.f32 [tilespmem:s26], [sflag:$0x1], $0x80, s29, s25, $0xb8;
	[tilespmem:$0x1A800] =	vst v63  }
0x78: {  	_ =	swait.ge [sflag:s23], $0x4000  }
0x79: {  	s29 =	simm.s32 $0x200;
	[sflag:s23] =	ssyncset.done $0x0  }
.LBB2_6:
0x7a: {  	s30 =	sshra.s32 s29, $0x2;
	[sflag:s23] =	ssyncadd.s32 $0xFFFFC000;
	p0 =	sne.s32 s29, $0x4E00  }
0x7b: {  	[spmem:s1] =	stream.indirect.scatter.add.f32 [tilespmem:s26], [sflag:$0x1], $0x80, s30, s25, $0xb8;
	[tilespmem:$0x1A800] =	vst v63  }
.Ltmp2:
0x7c: {  	_ = 	snop;
	(pc) =	sbr.rel @p0 .LBB2_6-.Ltmp2, $4  }
0x7d: {  	_ = 	snop  }
0x7e: {  	s29 =	sadd.s32 $0x200, s29  }
0x7f: {  	_ =	swait.ge [sflag:s23], $0x4000  }
0x80: {  	[sflag:s23] =	ssyncset.done $0x0  }
0x81: {  	[sflag:s23] =	ssyncadd.s32 $0xFFFFC000;
	s28 =	sadd.s32 $0x1, s28  }
0x82: {  	s29 =	sshll.u32 s2, $0x6;
	s30 =	sshrl.u32 s6, $0x3;
	p0 =	sne.s32 s28, s7  }
.Ltmp3:
0x83: {  	[bflag:$0x0] =	sbarrier.arrive $0xFFFF;
	s29 =	sor.u32 $0x1C01, s29;
	(pc) =	sbr.rel @p0 .LBB2_1-.Ltmp3, $4  }
0x84: {  	[hbm:s5], [sflag:s29] =	dma.local [spmem:s30], $0x2800  }
0x85: {  	_ =	swait.ge [sflag:s23], $0x2800  }
0x86: {  	[sflag:s23] =	ssyncset.done $0x0  }
0x87: {  	[sflag:s23] =	ssyncadd.s32 $0xFFFFD800  }
0x88: {  	_ =	sfence.sel $0x180000  }
0x89: {  	[bflag:$0x0] =	sbarrier.arrive $0xFFFF  }
0x8a: {  	p0 =	sne.s32 s2, $0x0;
	_ =	strace $0x90000047  }
0x8b: {  	s0 =	sadd.s32 @!p0 $0x100000, s0;
	[bflag:$0x2] =	sbarrier.arrive $0xFFFF  }
0x8c: {  	[sflag:s0] =	ssyncadd.tile.s32 @!p0 $0x1;
	_ =	shalt  }
.Lfunc_end2:
_tile_overlayer_lowered:
.L_overlay_start_2:
0x8d: {  	(tag) =	ssettag $0x2  }
0x8e: {  	s0 =	rddreg [dreg:$0x0];
	s2 =	stileid.u32  }
0x8f: {  	s1 =	rddreg [dreg:$0x1];
	p0 =	sne.s32 s2, $0x0  }
0x90: {  	s3 =	rddreg [dreg:$0x2];
	[bflag:$0x3] =	sbarrier.arrive $0xFFFF;
	s2 =	simm.s32 @!p0 $0x1C01  }
0x91: {  	[timem:s3], [sflag:s2] =	dma.local @!p0 [hbm:s0], s1  }
0x92: {  	s0 =	simm.s32 @!p0 $0x1  }
0x93: {  	_ =	swait.ge @!p0 [sflag:s0], s1  }
0x94: {  	s1 =	ssub.s32 @!p0 $0x0, s1;
	[sflag:s0] =	ssyncset.done @!p0 $0x0  }
0x95: {  	[sflag:s0] =	ssyncadd.s32 @!p0 s1  }
0x96: {  	[bflag:$0x3] =	sbarrier.arrive $0xFFFF  }
0x97: {  	_ =	shalt  }

</sc_bundles>
